<compile_context>
chip_gen: v7x
topology: tpu7x:2x2x1
jax: 0.10.2.dev20260603
libtpu: 0.0.44.dev20260713+nightly
codegen_flags: <defaults>
</compile_context>

<pallas_src>
import functools

import jax
import jax.numpy as jnp
from jax import lax
from jax.experimental import pallas as pl
from jax.experimental.pallas import tpu as pltpu
from jax.experimental.pallas import tpu_sc as plsc

_B, _N, _M = 8, 2048, 2048
_L = 16
_NW = 32

_SC_NB = 2
_TC_NB = _B - _SC_NB
_WPB = _NW // _SC_NB
_OWN = _N // _WPB
_KB = 8
_IC = _OWN // _KB
_YC = _M // _L

_NT = 1
_NB = _N // _NT


def _splat(val):
    return jnp.full((_L,), val, jnp.int32)


def _sc_body(recT_hbm, dataT_hbm, dx_hbm, dyp_hbm, own_v, part_v, rows_v,
             out_v, col_v):
    wid = lax.axis_index("s") * 2 + lax.axis_index("c")
    b = wid // _WPB
    q = wid % _WPB
    for c in range(3):
        pltpu.sync_copy(
            recT_hbm.at[pl.ds((b * 3 + c) * _N + q * _OWN, _OWN)],
            own_v.at[pl.ds(c * _OWN, _OWN)])
        pltpu.sync_copy(dataT_hbm.at[pl.ds((b * 3 + c) * _M, _M)],
                        part_v.at[pl.ds(c * _M, _M)])

    inf = jnp.full((_L,), jnp.float32(jnp.inf), jnp.float32)

    def init_col(yc, carry):
        col_v[pl.ds(yc * _L, _L)] = inf
        return carry

    lax.fori_loop(0, _YC, init_col, 0)

    def ic_body(ic, carry):
        base = ic * _KB
        xb = []
        for k in range(_KB):
            xb.append([
                plsc.load_gather(own_v, [_splat(c * _OWN + base + k)])
                for c in range(3)
            ])

        def yc_body(yc, rowaccs):
            y0 = part_v[pl.ds(yc * _L, _L)]
            y1 = part_v[pl.ds(_M + yc * _L, _L)]
            y2 = part_v[pl.ds(2 * _M + yc * _L, _L)]
            cacc = col_v[pl.ds(yc * _L, _L)]
            new = []
            for k in range(_KB):
                d0 = xb[k][0] - y0
                d1 = xb[k][1] - y1
                d2 = xb[k][2] - y2
                d = d0 * d0 + d1 * d1 + d2 * d2
                new.append(jnp.minimum(rowaccs[k], d))
                cacc = jnp.minimum(cacc, d)
            col_v[pl.ds(yc * _L, _L)] = cacc
            return tuple(new)

        rowaccs = lax.fori_loop(0, _YC, yc_body, (inf,) * _KB)
        for k in range(_KB):
            rows_v[pl.ds((base + k) * _L, _L)] = rowaccs[k]
        return carry

    lax.fori_loop(0, _IC, ic_body, 0)

    lanes = lax.iota(jnp.int32, _L)

    def red_body(oc, carry):
        flat0 = (oc * _L + lanes) * _L
        m = plsc.load_gather(rows_v, [flat0])
        for k in range(1, _L):
            m = jnp.minimum(m, plsc.load_gather(rows_v, [flat0 + k]))
        out_v[pl.ds(oc * _L, _L)] = m
        return carry

    lax.fori_loop(0, _OWN // _L, red_body, 0)

    pltpu.sync_copy(out_v, dx_hbm.at[pl.ds(b * _N + q * _OWN, _OWN)])
    pltpu.sync_copy(col_v, dyp_hbm.at[pl.ds((b * _WPB + q) * _M, _M)])


def _sc_chamfer(recT, dataT):
    mesh = plsc.VectorSubcoreMesh(core_axis_name="c", subcore_axis_name="s")
    f = functools.partial(
        pl.kernel,
        mesh=mesh,
        compiler_params=pltpu.CompilerParams(needs_layout_passes=False),
        out_type=[
            jax.ShapeDtypeStruct((_SC_NB * _N,), jnp.float32),
            jax.ShapeDtypeStruct((_SC_NB * _WPB * _M,), jnp.float32),
        ],
        scratch_types=[
            pltpu.VMEM((3 * _OWN,), jnp.float32),
            pltpu.VMEM((3 * _M,), jnp.float32),
            pltpu.VMEM((_OWN * _L,), jnp.float32),
            pltpu.VMEM((_OWN,), jnp.float32),
            pltpu.VMEM((_M,), jnp.float32),
        ],
    )(_sc_body)
    dx, dyp = f(recT.reshape(-1), dataT.reshape(-1))
    dx = dx.reshape(_SC_NB, _N)
    dyp = dyp.reshape(_SC_NB, _WPB, _M)
    return dx, jnp.min(dyp, axis=1)


def _tc_body(x_ref, yt_ref, dx_ref, dy_ref):
    n = pl.program_id(1)
    x = x_ref[0]
    yt = yt_ref[0]
    d0 = x[:, 0:1] - yt[0:1, :]
    d1 = x[:, 1:2] - yt[1:2, :]
    d2 = x[:, 2:3] - yt[2:3, :]
    d = d0 * d0 + d1 * d1 + d2 * d2
    dx_ref[0, 0] = jnp.min(d, axis=1)
    colmin = jnp.min(d, axis=0)

    @pl.when(n == 0)
    def _():
        dy_ref[0, 0] = colmin

    @pl.when(n != 0)
    def _():
        dy_ref[0, 0] = jnp.minimum(dy_ref[0, 0], colmin)


def _tc_chamfer(rec, dataT):
    nb = rec.shape[0]
    dist_x, dist_y = pl.pallas_call(
        _tc_body,
        grid=(nb, _NT),
        in_specs=[
            pl.BlockSpec((1, _NB, 3), lambda b, n: (b, n, 0)),
            pl.BlockSpec((1, 3, _M), lambda b, n: (b, 0, 0)),
        ],
        out_specs=[
            pl.BlockSpec((1, 1, _NB), lambda b, n: (b * _NT + n, 0, 0)),
            pl.BlockSpec((1, 1, _M), lambda b, n: (b, 0, 0)),
        ],
        out_shape=[
            jax.ShapeDtypeStruct((nb * _NT, 1, _NB), jnp.float32),
            jax.ShapeDtypeStruct((nb, 1, _M), jnp.float32),
        ],
    )(rec, dataT)
    return dist_x.reshape(nb, _N), dist_y.reshape(nb, _M)


def kernel(rec, data):
    recT2 = jnp.transpose(rec[:_SC_NB], (0, 2, 1))
    dataT2 = jnp.transpose(data[:_SC_NB], (0, 2, 1))
    dataT6 = jnp.transpose(data[_SC_NB:], (0, 2, 1))
    sc_dx, sc_dy = _sc_chamfer(recT2, dataT2)
    tc_dx, tc_dy = _tc_chamfer(rec[_SC_NB:], dataT6)
    dist_x = jnp.concatenate([sc_dx, tc_dx], axis=0)
    dist_y = jnp.concatenate([sc_dy, tc_dy], axis=0)
    per_batch = jnp.maximum(jnp.mean(dist_y, axis=1), jnp.mean(dist_x, axis=1))
    return jnp.mean(per_batch)

# --- scband reference (transcript-rebuilt; emitter-appended) ---
"""Pipeline reference for scband-chamfer-loss-71322226917415 (READ-ONLY COPY).

The authoritative reference and input builder live on the scoring server;
editing this copy changes nothing except your own understanding.
"""

import jax, jax.numpy as jnp
import numpy as np


def setup_inputs(seed: int = 0) -> dict:
    key = jax.random.key(seed)
    k1, k2 = jax.random.split(key)
    rec = jax.random.normal(k1, (8, 2048, 3), dtype=jnp.float32)
    data = jax.random.normal(k2, (8, 2048, 3), dtype=jnp.float32)
    return {"rec": rec, "data": data}


def _nndistance(x, y):
    # x: (B, N, 3), y: (B, M, 3)
    # pairwise squared distances (B, N, M)
    d = jnp.sum((x[:, :, None, :] - y[:, None, :, :]) ** 2, axis=-1)
    dist_x = jnp.min(d, axis=2)      # for each x point, nearest in y: (B, N)
    dist_y = jnp.min(d, axis=1)      # for each y point, nearest in x: (B, M)
    idx_x = jnp.argmin(d, axis=2)
    idx_y = jnp.argmin(d, axis=1)
    return dist_x, dist_y, idx_x, idx_y


def reference(rec, data):
    # nndistance(rec, data) -> (rec->data dists, data->rec dists, idxs)
    rec_dist, data_dist, rec_idx, data_idx = _nndistance(rec, data)
    # per-batch symmetric Chamfer: max of the two directional means, then batch mean
    per_batch = jnp.maximum(jnp.mean(data_dist, axis=1), jnp.mean(rec_dist, axis=1))
    dist = jnp.mean(per_batch)
    return dist

if __name__ == "__main__":
    import jax
    _d = setup_inputs()
    print(jax.jit(kernel)(*tuple(_d.values())))

</pallas_src>

<mosaic_0001>
#map = affine_map<(d0, d1) -> (0)>
module attributes {stable_mosaic.version = 14 : i64} {
  func.func @_sc_body(%arg0: i32, %arg1: i32, %arg2: memref<12288xf32, #tpu.memory_space<hbm>>, %arg3: memref<12288xf32, #tpu.memory_space<hbm>>, %arg4: memref<4096xf32, #tpu.memory_space<hbm>>, %arg5: memref<65536xf32, #tpu.memory_space<hbm>>, %arg6: memref<384xf32, #tpu.memory_space<vmem>>, %arg7: memref<6144xf32, #tpu.memory_space<vmem>>, %arg8: memref<2048xf32, #tpu.memory_space<vmem>>, %arg9: memref<128xf32, #tpu.memory_space<vmem>>, %arg10: memref<2048xf32, #tpu.memory_space<vmem>>) attributes {dimension_semantics = [#tpu.dimension_semantics<core_parallel>, #tpu.dimension_semantics<subcore_parallel>], iteration_bounds = array<i64: 2, 16>, scalar_prefetch = 0 : i64, scratch_operands = 5 : i64, tpu.core_type = #tpu.core_type<sc_vector_subcore>, window_params = [{transform_indices = #map}, {transform_indices = #map}, {transform_indices = #map}, {transform_indices = #map}]} {
    %mul3A = arith.constant 2 : i32
    %mul3A_0 = arith.muli %arg1, %mul3A : i32
    %add3A = arith.addi %mul3A_0, %arg0 : i32
    %jit3A = arith.constant 16 : i32
    %div3A = arith.divsi %add3A, %jit3A : i32
    %sign3A = arith.constant 0 : i32
    %sign3A_1 = arith.cmpi sgt, %add3A, %sign3A : i32
    %sign3A_2 = arith.extui %sign3A_1 : i1 to i32
    %sign3A_3 = arith.constant 0 : i32
    %sign3A_4 = arith.cmpi slt, %add3A, %sign3A_3 : i32
    %sign3A_5 = arith.extui %sign3A_4 : i1 to i32
    %sign3A_6 = arith.subi %sign3A_2, %sign3A_5 : i32
    %sign3A_7 = arith.constant 0 : i32
    %sign3A_8 = arith.cmpi sgt, %jit3A, %sign3A_7 : i32
    %sign3A_9 = arith.extui %sign3A_8 : i1 to i32
    %sign3A_10 = arith.constant 0 : i32
    %sign3A_11 = arith.cmpi slt, %jit3A, %sign3A_10 : i32
    %sign3A_12 = arith.extui %sign3A_11 : i1 to i32
    %sign3A_13 = arith.subi %sign3A_9, %sign3A_12 : i32
    %ne3A = arith.cmpi ne, %sign3A_6, %sign3A_13 : i32
    %rem3A = arith.remsi %add3A, %jit3A : i32
    %ne3A_14 = arith.constant 0 : i32
    %ne3A_15 = arith.cmpi ne, %rem3A, %ne3A_14 : i32
    %and3A = arith.andi %ne3A, %ne3A_15 : i1
    %sub3A = arith.constant 1 : i32
    %sub3A_16 = arith.subi %div3A, %sub3A : i32
    %select_n3A = arith.select %and3A, %sub3A_16, %div3A : i32
    %jit3A_17 = arith.constant 16 : i32
    %eq3A = arith.constant 0 : i32
    %eq3A_18 = arith.cmpi eq, %jit3A_17, %eq3A : i32
    %jit3A_19 = arith.constant 1 : i32
    %select_n3A_20 = arith.select %eq3A_18, %jit3A_19, %jit3A_17 : i32
    %rem3A_21 = arith.remsi %add3A, %select_n3A_20 : i32
    %ne3A_22 = arith.constant 0 : i32
    %ne3A_23 = arith.cmpi ne, %rem3A_21, %ne3A_22 : i32
    %lt3A = arith.constant 0 : i32
    %lt3A_24 = arith.cmpi slt, %rem3A_21, %lt3A : i32
    %lt3A_25 = arith.constant 0 : i32
    %lt3A_26 = arith.cmpi slt, %select_n3A_20, %lt3A_25 : i32
    %ne3A_27 = arith.xori %lt3A_24, %lt3A_26 : i1
    %and3A_28 = arith.andi %ne3A_27, %ne3A_23 : i1
    %add3A_29 = arith.addi %rem3A_21, %select_n3A_20 : i32
    %select_n3A_30 = arith.select %and3A_28, %add3A_29, %rem3A_21 : i32
    %mul3A_31 = arith.constant 3 : i32
    %mul3A_32 = arith.muli %select_n3A, %mul3A_31 : i32
    %add3A_33 = arith.constant 0 : i32
    %add3A_34 = arith.addi %mul3A_32, %add3A_33 : i32
    %mul3A_35 = arith.constant 2048 : i32
    %mul3A_36 = arith.muli %add3A_34, %mul3A_35 : i32
    %mul3A_37 = arith.constant 128 : i32
    %mul3A_38 = arith.muli %select_n3A_30, %mul3A_37 : i32
    %add3A_39 = arith.addi %mul3A_36, %mul3A_38 : i32
    "tpu.region"() ({
      %run_scoped3A = tpu.sem_alloc : memref<!tpu.dma_semaphore, #tpu.memory_space<semaphore_mem>>
      %dma_start3A = arith.constant 0 : i32
      %dma_start3A_104 = tpu.memref_slice %arg6[%dma_start3A] : memref<384xf32, #tpu.memory_space<vmem>> -> memref<128xf32, #tpu.memory_space<vmem>>
      %dma_start3A_105 = tpu.memref_slice %arg2[%add3A_39] : memref<12288xf32, #tpu.memory_space<hbm>> -> memref<128xf32, #tpu.memory_space<hbm>>
      %dma_start3A_106 = arith.constant 0 : i32
      %dma_start3A_107 = tpu.memref_slice %arg6[%dma_start3A_106] : memref<384xf32, #tpu.memory_space<vmem>> -> memref<128xf32, #tpu.memory_space<vmem>>
      %dma_start3A_108 = tpu.memref_slice %arg2[%add3A_39] : memref<12288xf32, #tpu.memory_space<hbm>> -> memref<128xf32, #tpu.memory_space<hbm>>
      tpu.enqueue_dma source(%dma_start3A_108 : memref<128xf32, #tpu.memory_space<hbm>>) target(%dma_start3A_107 : memref<128xf32, #tpu.memory_space<vmem>>) target_semaphore(%run_scoped3A : memref<!tpu.dma_semaphore, #tpu.memory_space<semaphore_mem>>)
      %dma_wait3A = arith.constant 0 : i32
      %dma_wait3A_109 = tpu.memref_slice %arg6[%dma_wait3A] : memref<384xf32, #tpu.memory_space<vmem>> -> memref<128xf32, #tpu.memory_space<vmem>>
      %dma_wait3A_110 = tpu.memref_slice %arg2[%add3A_39] : memref<12288xf32, #tpu.memory_space<hbm>> -> memref<128xf32, #tpu.memory_space<hbm>>
      %dma_wait3A_111 = arith.constant 0 : i32
      %dma_wait3A_112 = tpu.memref_slice %arg6[%dma_wait3A_111] : memref<384xf32, #tpu.memory_space<vmem>> -> memref<128xf32, #tpu.memory_space<vmem>>
      %dma_wait3A_113 = tpu.memref_slice %arg2[%add3A_39] : memref<12288xf32, #tpu.memory_space<hbm>> -> memref<128xf32, #tpu.memory_space<hbm>>
      tpu.wait_dma2 semaphore(%run_scoped3A : memref<!tpu.dma_semaphore, #tpu.memory_space<semaphore_mem>>) src(%dma_wait3A_113 : memref<128xf32, #tpu.memory_space<hbm>>) dst(%dma_wait3A_112 : memref<128xf32, #tpu.memory_space<vmem>>)
      tpu.yield
    }) : () -> ()
    %mul3A_40 = arith.constant 3 : i32
    %mul3A_41 = arith.muli %select_n3A, %mul3A_40 : i32
    %add3A_42 = arith.constant 0 : i32
    %add3A_43 = arith.addi %mul3A_41, %add3A_42 : i32
    %mul3A_44 = arith.constant 2048 : i32
    %mul3A_45 = arith.muli %add3A_43, %mul3A_44 : i32
    "tpu.region"() ({
      %run_scoped3A = tpu.sem_alloc : memref<!tpu.dma_semaphore, #tpu.memory_space<semaphore_mem>>
      %dma_start3A = arith.constant 0 : i32
      %dma_start3A_104 = tpu.memref_slice %arg7[%dma_start3A] : memref<6144xf32, #tpu.memory_space<vmem>> -> memref<2048xf32, #tpu.memory_space<vmem>>
      %dma_start3A_105 = tpu.memref_slice %arg3[%mul3A_45] : memref<12288xf32, #tpu.memory_space<hbm>> -> memref<2048xf32, #tpu.memory_space<hbm>>
      %dma_start3A_106 = arith.constant 0 : i32
      %dma_start3A_107 = tpu.memref_slice %arg7[%dma_start3A_106] : memref<6144xf32, #tpu.memory_space<vmem>> -> memref<2048xf32, #tpu.memory_space<vmem>>
      %dma_start3A_108 = tpu.memref_slice %arg3[%mul3A_45] : memref<12288xf32, #tpu.memory_space<hbm>> -> memref<2048xf32, #tpu.memory_space<hbm>>
      tpu.enqueue_dma source(%dma_start3A_108 : memref<2048xf32, #tpu.memory_space<hbm>>) target(%dma_start3A_107 : memref<2048xf32, #tpu.memory_space<vmem>>) target_semaphore(%run_scoped3A : memref<!tpu.dma_semaphore, #tpu.memory_space<semaphore_mem>>)
      %dma_wait3A = arith.constant 0 : i32
      %dma_wait3A_109 = tpu.memref_slice %arg7[%dma_wait3A] : memref<6144xf32, #tpu.memory_space<vmem>> -> memref<2048xf32, #tpu.memory_space<vmem>>
      %dma_wait3A_110 = tpu.memref_slice %arg3[%mul3A_45] : memref<12288xf32, #tpu.memory_space<hbm>> -> memref<2048xf32, #tpu.memory_space<hbm>>
      %dma_wait3A_111 = arith.constant 0 : i32
      %dma_wait3A_112 = tpu.memref_slice %arg7[%dma_wait3A_111] : memref<6144xf32, #tpu.memory_space<vmem>> -> memref<2048xf32, #tpu.memory_space<vmem>>
      %dma_wait3A_113 = tpu.memref_slice %arg3[%mul3A_45] : memref<12288xf32, #tpu.memory_space<hbm>> -> memref<2048xf32, #tpu.memory_space<hbm>>
      tpu.wait_dma2 semaphore(%run_scoped3A : memref<!tpu.dma_semaphore, #tpu.memory_space<semaphore_mem>>) src(%dma_wait3A_113 : memref<2048xf32, #tpu.memory_space<hbm>>) dst(%dma_wait3A_112 : memref<2048xf32, #tpu.memory_space<vmem>>)
      tpu.yield
    }) : () -> ()
    %mul3A_46 = arith.constant 3 : i32
    %mul3A_47 = arith.muli %select_n3A, %mul3A_46 : i32
    %add3A_48 = arith.constant 1 : i32
    %add3A_49 = arith.addi %mul3A_47, %add3A_48 : i32
    %mul3A_50 = arith.constant 2048 : i32
    %mul3A_51 = arith.muli %add3A_49, %mul3A_50 : i32
    %mul3A_52 = arith.constant 128 : i32
    %mul3A_53 = arith.muli %select_n3A_30, %mul3A_52 : i32
    %add3A_54 = arith.addi %mul3A_51, %mul3A_53 : i32
    "tpu.region"() ({
      %run_scoped3A = tpu.sem_alloc : memref<!tpu.dma_semaphore, #tpu.memory_space<semaphore_mem>>
      %dma_start3A = arith.constant 128 : i32
      %dma_start3A_104 = tpu.memref_slice %arg6[%dma_start3A] : memref<384xf32, #tpu.memory_space<vmem>> -> memref<128xf32, #tpu.memory_space<vmem>>
      %dma_start3A_105 = tpu.memref_slice %arg2[%add3A_54] : memref<12288xf32, #tpu.memory_space<hbm>> -> memref<128xf32, #tpu.memory_space<hbm>>
      %dma_start3A_106 = arith.constant 128 : i32
      %dma_start3A_107 = tpu.memref_slice %arg6[%dma_start3A_106] : memref<384xf32, #tpu.memory_space<vmem>> -> memref<128xf32, #tpu.memory_space<vmem>>
      %dma_start3A_108 = tpu.memref_slice %arg2[%add3A_54] : memref<12288xf32, #tpu.memory_space<hbm>> -> memref<128xf32, #tpu.memory_space<hbm>>
      tpu.enqueue_dma source(%dma_start3A_108 : memref<128xf32, #tpu.memory_space<hbm>>) target(%dma_start3A_107 : memref<128xf32, #tpu.memory_space<vmem>>) target_semaphore(%run_scoped3A : memref<!tpu.dma_semaphore, #tpu.memory_space<semaphore_mem>>)
      %dma_wait3A = arith.constant 128 : i32
      %dma_wait3A_109 = tpu.memref_slice %arg6[%dma_wait3A] : memref<384xf32, #tpu.memory_space<vmem>> -> memref<128xf32, #tpu.memory_space<vmem>>
      %dma_wait3A_110 = tpu.memref_slice %arg2[%add3A_54] : memref<12288xf32, #tpu.memory_space<hbm>> -> memref<128xf32, #tpu.memory_space<hbm>>
      %dma_wait3A_111 = arith.constant 128 : i32
      %dma_wait3A_112 = tpu.memref_slice %arg6[%dma_wait3A_111] : memref<384xf32, #tpu.memory_space<vmem>> -> memref<128xf32, #tpu.memory_space<vmem>>
      %dma_wait3A_113 = tpu.memref_slice %arg2[%add3A_54] : memref<12288xf32, #tpu.memory_space<hbm>> -> memref<128xf32, #tpu.memory_space<hbm>>
      tpu.wait_dma2 semaphore(%run_scoped3A : memref<!tpu.dma_semaphore, #tpu.memory_space<semaphore_mem>>) src(%dma_wait3A_113 : memref<128xf32, #tpu.memory_space<hbm>>) dst(%dma_wait3A_112 : memref<128xf32, #tpu.memory_space<vmem>>)
      tpu.yield
    }) : () -> ()
    %mul3A_55 = arith.constant 3 : i32
    %mul3A_56 = arith.muli %select_n3A, %mul3A_55 : i32
    %add3A_57 = arith.constant 1 : i32
    %add3A_58 = arith.addi %mul3A_56, %add3A_57 : i32
    %mul3A_59 = arith.constant 2048 : i32
    %mul3A_60 = arith.muli %add3A_58, %mul3A_59 : i32
    "tpu.region"() ({
      %run_scoped3A = tpu.sem_alloc : memref<!tpu.dma_semaphore, #tpu.memory_space<semaphore_mem>>
      %dma_start3A = arith.constant 2048 : i32
      %dma_start3A_104 = tpu.memref_slice %arg7[%dma_start3A] : memref<6144xf32, #tpu.memory_space<vmem>> -> memref<2048xf32, #tpu.memory_space<vmem>>
      %dma_start3A_105 = tpu.memref_slice %arg3[%mul3A_60] : memref<12288xf32, #tpu.memory_space<hbm>> -> memref<2048xf32, #tpu.memory_space<hbm>>
      %dma_start3A_106 = arith.constant 2048 : i32
      %dma_start3A_107 = tpu.memref_slice %arg7[%dma_start3A_106] : memref<6144xf32, #tpu.memory_space<vmem>> -> memref<2048xf32, #tpu.memory_space<vmem>>
      %dma_start3A_108 = tpu.memref_slice %arg3[%mul3A_60] : memref<12288xf32, #tpu.memory_space<hbm>> -> memref<2048xf32, #tpu.memory_space<hbm>>
      tpu.enqueue_dma source(%dma_start3A_108 : memref<2048xf32, #tpu.memory_space<hbm>>) target(%dma_start3A_107 : memref<2048xf32, #tpu.memory_space<vmem>>) target_semaphore(%run_scoped3A : memref<!tpu.dma_semaphore, #tpu.memory_space<semaphore_mem>>)
      %dma_wait3A = arith.constant 2048 : i32
      %dma_wait3A_109 = tpu.memref_slice %arg7[%dma_wait3A] : memref<6144xf32, #tpu.memory_space<vmem>> -> memref<2048xf32, #tpu.memory_space<vmem>>
      %dma_wait3A_110 = tpu.memref_slice %arg3[%mul3A_60] : memref<12288xf32, #tpu.memory_space<hbm>> -> memref<2048xf32, #tpu.memory_space<hbm>>
      %dma_wait3A_111 = arith.constant 2048 : i32
      %dma_wait3A_112 = tpu.memref_slice %arg7[%dma_wait3A_111] : memref<6144xf32, #tpu.memory_space<vmem>> -> memref<2048xf32, #tpu.memory_space<vmem>>
      %dma_wait3A_113 = tpu.memref_slice %arg3[%mul3A_60] : memref<12288xf32, #tpu.memory_space<hbm>> -> memref<2048xf32, #tpu.memory_space<hbm>>
      tpu.wait_dma2 semaphore(%run_scoped3A : memref<!tpu.dma_semaphore, #tpu.memory_space<semaphore_mem>>) src(%dma_wait3A_113 : memref<2048xf32, #tpu.memory_space<hbm>>) dst(%dma_wait3A_112 : memref<2048xf32, #tpu.memory_space<vmem>>)
      tpu.yield
    }) : () -> ()
    %mul3A_61 = arith.constant 3 : i32
    %mul3A_62 = arith.muli %select_n3A, %mul3A_61 : i32
    %add3A_63 = arith.constant 2 : i32
    %add3A_64 = arith.addi %mul3A_62, %add3A_63 : i32
    %mul3A_65 = arith.constant 2048 : i32
    %mul3A_66 = arith.muli %add3A_64, %mul3A_65 : i32
    %mul3A_67 = arith.constant 128 : i32
    %mul3A_68 = arith.muli %select_n3A_30, %mul3A_67 : i32
    %add3A_69 = arith.addi %mul3A_66, %mul3A_68 : i32
    "tpu.region"() ({
      %run_scoped3A = tpu.sem_alloc : memref<!tpu.dma_semaphore, #tpu.memory_space<semaphore_mem>>
      %dma_start3A = arith.constant 256 : i32
      %dma_start3A_104 = tpu.memref_slice %arg6[%dma_start3A] : memref<384xf32, #tpu.memory_space<vmem>> -> memref<128xf32, #tpu.memory_space<vmem>>
      %dma_start3A_105 = tpu.memref_slice %arg2[%add3A_69] : memref<12288xf32, #tpu.memory_space<hbm>> -> memref<128xf32, #tpu.memory_space<hbm>>
      %dma_start3A_106 = arith.constant 256 : i32
      %dma_start3A_107 = tpu.memref_slice %arg6[%dma_start3A_106] : memref<384xf32, #tpu.memory_space<vmem>> -> memref<128xf32, #tpu.memory_space<vmem>>
      %dma_start3A_108 = tpu.memref_slice %arg2[%add3A_69] : memref<12288xf32, #tpu.memory_space<hbm>> -> memref<128xf32, #tpu.memory_space<hbm>>
      tpu.enqueue_dma source(%dma_start3A_108 : memref<128xf32, #tpu.memory_space<hbm>>) target(%dma_start3A_107 : memref<128xf32, #tpu.memory_space<vmem>>) target_semaphore(%run_scoped3A : memref<!tpu.dma_semaphore, #tpu.memory_space<semaphore_mem>>)
      %dma_wait3A = arith.constant 256 : i32
      %dma_wait3A_109 = tpu.memref_slice %arg6[%dma_wait3A] : memref<384xf32, #tpu.memory_space<vmem>> -> memref<128xf32, #tpu.memory_space<vmem>>
      %dma_wait3A_110 = tpu.memref_slice %arg2[%add3A_69] : memref<12288xf32, #tpu.memory_space<hbm>> -> memref<128xf32, #tpu.memory_space<hbm>>
      %dma_wait3A_111 = arith.constant 256 : i32
      %dma_wait3A_112 = tpu.memref_slice %arg6[%dma_wait3A_111] : memref<384xf32, #tpu.memory_space<vmem>> -> memref<128xf32, #tpu.memory_space<vmem>>
      %dma_wait3A_113 = tpu.memref_slice %arg2[%add3A_69] : memref<12288xf32, #tpu.memory_space<hbm>> -> memref<128xf32, #tpu.memory_space<hbm>>
      tpu.wait_dma2 semaphore(%run_scoped3A : memref<!tpu.dma_semaphore, #tpu.memory_space<semaphore_mem>>) src(%dma_wait3A_113 : memref<128xf32, #tpu.memory_space<hbm>>) dst(%dma_wait3A_112 : memref<128xf32, #tpu.memory_space<vmem>>)
      tpu.yield
    }) : () -> ()
    %mul3A_70 = arith.constant 3 : i32
    %mul3A_71 = arith.muli %select_n3A, %mul3A_70 : i32
    %add3A_72 = arith.constant 2 : i32
    %add3A_73 = arith.addi %mul3A_71, %add3A_72 : i32
    %mul3A_74 = arith.constant 2048 : i32
    %mul3A_75 = arith.muli %add3A_73, %mul3A_74 : i32
    "tpu.region"() ({
      %run_scoped3A = tpu.sem_alloc : memref<!tpu.dma_semaphore, #tpu.memory_space<semaphore_mem>>
      %dma_start3A = arith.constant 4096 : i32
      %dma_start3A_104 = tpu.memref_slice %arg7[%dma_start3A] : memref<6144xf32, #tpu.memory_space<vmem>> -> memref<2048xf32, #tpu.memory_space<vmem>>
      %dma_start3A_105 = tpu.memref_slice %arg3[%mul3A_75] : memref<12288xf32, #tpu.memory_space<hbm>> -> memref<2048xf32, #tpu.memory_space<hbm>>
      %dma_start3A_106 = arith.constant 4096 : i32
      %dma_start3A_107 = tpu.memref_slice %arg7[%dma_start3A_106] : memref<6144xf32, #tpu.memory_space<vmem>> -> memref<2048xf32, #tpu.memory_space<vmem>>
      %dma_start3A_108 = tpu.memref_slice %arg3[%mul3A_75] : memref<12288xf32, #tpu.memory_space<hbm>> -> memref<2048xf32, #tpu.memory_space<hbm>>
      tpu.enqueue_dma source(%dma_start3A_108 : memref<2048xf32, #tpu.memory_space<hbm>>) target(%dma_start3A_107 : memref<2048xf32, #tpu.memory_space<vmem>>) target_semaphore(%run_scoped3A : memref<!tpu.dma_semaphore, #tpu.memory_space<semaphore_mem>>)
      %dma_wait3A = arith.constant 4096 : i32
      %dma_wait3A_109 = tpu.memref_slice %arg7[%dma_wait3A] : memref<6144xf32, #tpu.memory_space<vmem>> -> memref<2048xf32, #tpu.memory_space<vmem>>
      %dma_wait3A_110 = tpu.memref_slice %arg3[%mul3A_75] : memref<12288xf32, #tpu.memory_space<hbm>> -> memref<2048xf32, #tpu.memory_space<hbm>>
      %dma_wait3A_111 = arith.constant 4096 : i32
      %dma_wait3A_112 = tpu.memref_slice %arg7[%dma_wait3A_111] : memref<6144xf32, #tpu.memory_space<vmem>> -> memref<2048xf32, #tpu.memory_space<vmem>>
      %dma_wait3A_113 = tpu.memref_slice %arg3[%mul3A_75] : memref<12288xf32, #tpu.memory_space<hbm>> -> memref<2048xf32, #tpu.memory_space<hbm>>
      tpu.wait_dma2 semaphore(%run_scoped3A : memref<!tpu.dma_semaphore, #tpu.memory_space<semaphore_mem>>) src(%dma_wait3A_113 : memref<2048xf32, #tpu.memory_space<hbm>>) dst(%dma_wait3A_112 : memref<2048xf32, #tpu.memory_space<vmem>>)
      tpu.yield
    }) : () -> ()
    %broadcast_in_dim3A = arith.constant 0x7F800000 : f32
    %broadcast_in_dim3A_76 = vector.broadcast %broadcast_in_dim3A : f32 to vector<16xf32>
    %scan3A = arith.constant 0 : i32
    %scan3A_77 = arith.constant 0 : i32
    %scan3A_78 = arith.constant 128 : i32
    %scan3A_79 = arith.addi %scan3A_77, %scan3A_78 : i32
    %scan3A_80 = arith.constant 1 : i32
    scf.for %scan3A_104 = %scan3A_77 to %scan3A_79 step %scan3A_80  : i32 {
      %mul3A_105 = arith.constant 16 : i32
      %mul3A_106 = arith.muli %scan3A_104, %mul3A_105 : i32
      %swap3A = arith.index_cast %mul3A_106 : i32 to index
      %swap3A_107 = tpu.vector_load %arg10[%swap3A] {strides = array<i32>} : memref<2048xf32, #tpu.memory_space<vmem>>, vector<16xf32>,
      tpu.vector_store %arg10[%swap3A], %broadcast_in_dim3A_76 {strides = array<i32>} : memref<2048xf32, #tpu.memory_space<vmem>>, vector<16xf32>,
    }
    %scan3A_81 = arith.constant 128 : i32
    %scan3A_82 = arith.constant 0 : i32
    %scan3A_83 = arith.constant 0 : i32
    %scan3A_84 = arith.constant 16 : i32
    %scan3A_85 = arith.addi %scan3A_83, %scan3A_84 : i32
    %scan3A_86 = arith.constant 1 : i32
    scf.for %scan3A_104 = %scan3A_83 to %scan3A_85 step %scan3A_86  : i32 {
      %mul3A_105 = arith.constant 8 : i32
      %mul3A_106 = arith.muli %scan3A_104, %mul3A_105 : i32
      %add3A_107 = arith.constant 0 : i32
      %add3A_108 = arith.addi %add3A_107, %mul3A_106 : i32
      %add3A_109 = arith.constant 0 : i32
      %add3A_110 = arith.addi %add3A_108, %add3A_109 : i32
      %broadcast_in_dim3A_111 = vector.broadcast %add3A_110 : i32 to vector<16xi32>
      %gather3A = tpu.vector_load_idx %arg6[%broadcast_in_dim3A_111] : memref<384xf32, #tpu.memory_space<vmem>>[vector<16xi32>], vector<16xf32>,
      %add3A_112 = arith.constant 128 : i32
      %add3A_113 = arith.addi %add3A_112, %mul3A_106 : i32
      %add3A_114 = arith.constant 0 : i32
      %add3A_115 = arith.addi %add3A_113, %add3A_114 : i32
      %broadcast_in_dim3A_116 = vector.broadcast %add3A_115 : i32 to vector<16xi32>
      %gather3A_117 = tpu.vector_load_idx %arg6[%broadcast_in_dim3A_116] : memref<384xf32, #tpu.memory_space<vmem>>[vector<16xi32>], vector<16xf32>,
      %add3A_118 = arith.constant 256 : i32
      %add3A_119 = arith.addi %add3A_118, %mul3A_106 : i32
      %add3A_120 = arith.constant 0 : i32
      %add3A_121 = arith.addi %add3A_119, %add3A_120 : i32
      %broadcast_in_dim3A_122 = vector.broadcast %add3A_121 : i32 to vector<16xi32>
      %gather3A_123 = tpu.vector_load_idx %arg6[%broadcast_in_dim3A_122] : memref<384xf32, #tpu.memory_space<vmem>>[vector<16xi32>], vector<16xf32>,
      %add3A_124 = arith.constant 0 : i32
      %add3A_125 = arith.addi %add3A_124, %mul3A_106 : i32
      %add3A_126 = arith.constant 1 : i32
      %add3A_127 = arith.addi %add3A_125, %add3A_126 : i32
      %broadcast_in_dim3A_128 = vector.broadcast %add3A_127 : i32 to vector<16xi32>
      %gather3A_129 = tpu.vector_load_idx %arg6[%broadcast_in_dim3A_128] : memref<384xf32, #tpu.memory_space<vmem>>[vector<16xi32>], vector<16xf32>,
      %add3A_130 = arith.constant 128 : i32
      %add3A_131 = arith.addi %add3A_130, %mul3A_106 : i32
      %add3A_132 = arith.constant 1 : i32
      %add3A_133 = arith.addi %add3A_131, %add3A_132 : i32
      %broadcast_in_dim3A_134 = vector.broadcast %add3A_133 : i32 to vector<16xi32>
      %gather3A_135 = tpu.vector_load_idx %arg6[%broadcast_in_dim3A_134] : memref<384xf32, #tpu.memory_space<vmem>>[vector<16xi32>], vector<16xf32>,
      %add3A_136 = arith.constant 256 : i32
      %add3A_137 = arith.addi %add3A_136, %mul3A_106 : i32
      %add3A_138 = arith.constant 1 : i32
      %add3A_139 = arith.addi %add3A_137, %add3A_138 : i32
      %broadcast_in_dim3A_140 = vector.broadcast %add3A_139 : i32 to vector<16xi32>
      %gather3A_141 = tpu.vector_load_idx %arg6[%broadcast_in_dim3A_140] : memref<384xf32, #tpu.memory_space<vmem>>[vector<16xi32>], vector<16xf32>,
      %add3A_142 = arith.constant 0 : i32
      %add3A_143 = arith.addi %add3A_142, %mul3A_106 : i32
      %add3A_144 = arith.constant 2 : i32
      %add3A_145 = arith.addi %add3A_143, %add3A_144 : i32
      %broadcast_in_dim3A_146 = vector.broadcast %add3A_145 : i32 to vector<16xi32>
      %gather3A_147 = tpu.vector_load_idx %arg6[%broadcast_in_dim3A_146] : memref<384xf32, #tpu.memory_space<vmem>>[vector<16xi32>], vector<16xf32>,
      %add3A_148 = arith.constant 128 : i32
      %add3A_149 = arith.addi %add3A_148, %mul3A_106 : i32
      %add3A_150 = arith.constant 2 : i32
      %add3A_151 = arith.addi %add3A_149, %add3A_150 : i32
      %broadcast_in_dim3A_152 = vector.broadcast %add3A_151 : i32 to vector<16xi32>
      %gather3A_153 = tpu.vector_load_idx %arg6[%broadcast_in_dim3A_152] : memref<384xf32, #tpu.memory_space<vmem>>[vector<16xi32>], vector<16xf32>,
      %add3A_154 = arith.constant 256 : i32
      %add3A_155 = arith.addi %add3A_154, %mul3A_106 : i32
      %add3A_156 = arith.constant 2 : i32
      %add3A_157 = arith.addi %add3A_155, %add3A_156 : i32
      %broadcast_in_dim3A_158 = vector.broadcast %add3A_157 : i32 to vector<16xi32>
      %gather3A_159 = tpu.vector_load_idx %arg6[%broadcast_in_dim3A_158] : memref<384xf32, #tpu.memory_space<vmem>>[vector<16xi32>], vector<16xf32>,
      %add3A_160 = arith.constant 0 : i32
      %add3A_161 = arith.addi %add3A_160, %mul3A_106 : i32
      %add3A_162 = arith.constant 3 : i32
      %add3A_163 = arith.addi %add3A_161, %add3A_162 : i32
      %broadcast_in_dim3A_164 = vector.broadcast %add3A_163 : i32 to vector<16xi32>
      %gather3A_165 = tpu.vector_load_idx %arg6[%broadcast_in_dim3A_164] : memref<384xf32, #tpu.memory_space<vmem>>[vector<16xi32>], vector<16xf32>,
      %add3A_166 = arith.constant 128 : i32
      %add3A_167 = arith.addi %add3A_166, %mul3A_106 : i32
      %add3A_168 = arith.constant 3 : i32
      %add3A_169 = arith.addi %add3A_167, %add3A_168 : i32
      %broadcast_in_dim3A_170 = vector.broadcast %add3A_169 : i32 to vector<16xi32>
      %gather3A_171 = tpu.vector_load_idx %arg6[%broadcast_in_dim3A_170] : memref<384xf32, #tpu.memory_space<vmem>>[vector<16xi32>], vector<16xf32>,
      %add3A_172 = arith.constant 256 : i32
      %add3A_173 = arith.addi %add3A_172, %mul3A_106 : i32
      %add3A_174 = arith.constant 3 : i32
      %add3A_175 = arith.addi %add3A_173, %add3A_174 : i32
      %broadcast_in_dim3A_176 = vector.broadcast %add3A_175 : i32 to vector<16xi32>
      %gather3A_177 = tpu.vector_load_idx %arg6[%broadcast_in_dim3A_176] : memref<384xf32, #tpu.memory_space<vmem>>[vector<16xi32>], vector<16xf32>,
      %add3A_178 = arith.constant 0 : i32
      %add3A_179 = arith.addi %add3A_178, %mul3A_106 : i32
      %add3A_180 = arith.constant 4 : i32
      %add3A_181 = arith.addi %add3A_179, %add3A_180 : i32
      %broadcast_in_dim3A_182 = vector.broadcast %add3A_181 : i32 to vector<16xi32>
      %gather3A_183 = tpu.vector_load_idx %arg6[%broadcast_in_dim3A_182] : memref<384xf32, #tpu.memory_space<vmem>>[vector<16xi32>], vector<16xf32>,
      %add3A_184 = arith.constant 128 : i32
      %add3A_185 = arith.addi %add3A_184, %mul3A_106 : i32
      %add3A_186 = arith.constant 4 : i32
      %add3A_187 = arith.addi %add3A_185, %add3A_186 : i32
      %broadcast_in_dim3A_188 = vector.broadcast %add3A_187 : i32 to vector<16xi32>
      %gather3A_189 = tpu.vector_load_idx %arg6[%broadcast_in_dim3A_188] : memref<384xf32, #tpu.memory_space<vmem>>[vector<16xi32>], vector<16xf32>,
      %add3A_190 = arith.constant 256 : i32
      %add3A_191 = arith.addi %add3A_190, %mul3A_106 : i32
      %add3A_192 = arith.constant 4 : i32
      %add3A_193 = arith.addi %add3A_191, %add3A_192 : i32
      %broadcast_in_dim3A_194 = vector.broadcast %add3A_193 : i32 to vector<16xi32>
      %gather3A_195 = tpu.vector_load_idx %arg6[%broadcast_in_dim3A_194] : memref<384xf32, #tpu.memory_space<vmem>>[vector<16xi32>], vector<16xf32>,
      %add3A_196 = arith.constant 0 : i32
      %add3A_197 = arith.addi %add3A_196, %mul3A_106 : i32
      %add3A_198 = arith.constant 5 : i32
      %add3A_199 = arith.addi %add3A_197, %add3A_198 : i32
      %broadcast_in_dim3A_200 = vector.broadcast %add3A_199 : i32 to vector<16xi32>
      %gather3A_201 = tpu.vector_load_idx %arg6[%broadcast_in_dim3A_200] : memref<384xf32, #tpu.memory_space<vmem>>[vector<16xi32>], vector<16xf32>,
      %add3A_202 = arith.constant 128 : i32
      %add3A_203 = arith.addi %add3A_202, %mul3A_106 : i32
      %add3A_204 = arith.constant 5 : i32
      %add3A_205 = arith.addi %add3A_203, %add3A_204 : i32
      %broadcast_in_dim3A_206 = vector.broadcast %add3A_205 : i32 to vector<16xi32>
      %gather3A_207 = tpu.vector_load_idx %arg6[%broadcast_in_dim3A_206] : memref<384xf32, #tpu.memory_space<vmem>>[vector<16xi32>], vector<16xf32>,
      %add3A_208 = arith.constant 256 : i32
      %add3A_209 = arith.addi %add3A_208, %mul3A_106 : i32
      %add3A_210 = arith.constant 5 : i32
      %add3A_211 = arith.addi %add3A_209, %add3A_210 : i32
      %broadcast_in_dim3A_212 = vector.broadcast %add3A_211 : i32 to vector<16xi32>
      %gather3A_213 = tpu.vector_load_idx %arg6[%broadcast_in_dim3A_212] : memref<384xf32, #tpu.memory_space<vmem>>[vector<16xi32>], vector<16xf32>,
      %add3A_214 = arith.constant 0 : i32
      %add3A_215 = arith.addi %add3A_214, %mul3A_106 : i32
      %add3A_216 = arith.constant 6 : i32
      %add3A_217 = arith.addi %add3A_215, %add3A_216 : i32
      %broadcast_in_dim3A_218 = vector.broadcast %add3A_217 : i32 to vector<16xi32>
      %gather3A_219 = tpu.vector_load_idx %arg6[%broadcast_in_dim3A_218] : memref<384xf32, #tpu.memory_space<vmem>>[vector<16xi32>], vector<16xf32>,
      %add3A_220 = arith.constant 128 : i32
      %add3A_221 = arith.addi %add3A_220, %mul3A_106 : i32
      %add3A_222 = arith.constant 6 : i32
      %add3A_223 = arith.addi %add3A_221, %add3A_222 : i32
      %broadcast_in_dim3A_224 = vector.broadcast %add3A_223 : i32 to vector<16xi32>
      %gather3A_225 = tpu.vector_load_idx %arg6[%broadcast_in_dim3A_224] : memref<384xf32, #tpu.memory_space<vmem>>[vector<16xi32>], vector<16xf32>,
      %add3A_226 = arith.constant 256 : i32
      %add3A_227 = arith.addi %add3A_226, %mul3A_106 : i32
      %add3A_228 = arith.constant 6 : i32
      %add3A_229 = arith.addi %add3A_227, %add3A_228 : i32
      %broadcast_in_dim3A_230 = vector.broadcast %add3A_229 : i32 to vector<16xi32>
      %gather3A_231 = tpu.vector_load_idx %arg6[%broadcast_in_dim3A_230] : memref<384xf32, #tpu.memory_space<vmem>>[vector<16xi32>], vector<16xf32>,
      %add3A_232 = arith.constant 0 : i32
      %add3A_233 = arith.addi %add3A_232, %mul3A_106 : i32
      %add3A_234 = arith.constant 7 : i32
      %add3A_235 = arith.addi %add3A_233, %add3A_234 : i32
      %broadcast_in_dim3A_236 = vector.broadcast %add3A_235 : i32 to vector<16xi32>
      %gather3A_237 = tpu.vector_load_idx %arg6[%broadcast_in_dim3A_236] : memref<384xf32, #tpu.memory_space<vmem>>[vector<16xi32>], vector<16xf32>,
      %add3A_238 = arith.constant 128 : i32
      %add3A_239 = arith.addi %add3A_238, %mul3A_106 : i32
      %add3A_240 = arith.constant 7 : i32
      %add3A_241 = arith.addi %add3A_239, %add3A_240 : i32
      %broadcast_in_dim3A_242 = vector.broadcast %add3A_241 : i32 to vector<16xi32>
      %gather3A_243 = tpu.vector_load_idx %arg6[%broadcast_in_dim3A_242] : memref<384xf32, #tpu.memory_space<vmem>>[vector<16xi32>], vector<16xf32>,
      %add3A_244 = arith.constant 256 : i32
      %add3A_245 = arith.addi %add3A_244, %mul3A_106 : i32
      %add3A_246 = arith.constant 7 : i32
      %add3A_247 = arith.addi %add3A_245, %add3A_246 : i32
      %broadcast_in_dim3A_248 = vector.broadcast %add3A_247 : i32 to vector<16xi32>
      %gather3A_249 = tpu.vector_load_idx %arg6[%broadcast_in_dim3A_248] : memref<384xf32, #tpu.memory_space<vmem>>[vector<16xi32>], vector<16xf32>,
      %scan3A_250 = arith.constant 0 : i32
      %scan3A_251 = arith.constant 128 : i32
      %scan3A_252 = arith.addi %scan3A_250, %scan3A_251 : i32
      %scan3A_253 = arith.constant 1 : i32
      %scan3A_254:8 = scf.for %scan3A_303 = %scan3A_250 to %scan3A_252 step %scan3A_253 iter_args(%scan3A_304 = %broadcast_in_dim3A_76, %scan3A_305 = %broadcast_in_dim3A_76, %scan3A_306 = %broadcast_in_dim3A_76, %scan3A_307 = %broadcast_in_dim3A_76, %scan3A_308 = %broadcast_in_dim3A_76, %scan3A_309 = %broadcast_in_dim3A_76, %scan3A_310 = %broadcast_in_dim3A_76, %scan3A_311 = %broadcast_in_dim3A_76) -> (vector<16xf32>, vector<16xf32>, vector<16xf32>, vector<16xf32>, vector<16xf32>, vector<16xf32>, vector<16xf32>, vector<16xf32>)  : i32 {
        %mul3A_312 = arith.constant 16 : i32
        %mul3A_313 = arith.muli %scan3A_303, %mul3A_312 : i32
        %get3A = arith.index_cast %mul3A_313 : i32 to index
        %get3A_314 = tpu.vector_load %arg7[%get3A] {strides = array<i32>} : memref<6144xf32, #tpu.memory_space<vmem>>, vector<16xf32>,
        %mul3A_315 = arith.constant 16 : i32
        %mul3A_316 = arith.muli %scan3A_303, %mul3A_315 : i32
        %add3A_317 = arith.constant 2048 : i32
        %add3A_318 = arith.addi %add3A_317, %mul3A_316 : i32
        %get3A_319 = arith.index_cast %add3A_318 : i32 to index
        %get3A_320 = tpu.vector_load %arg7[%get3A_319] {strides = array<i32>} : memref<6144xf32, #tpu.memory_space<vmem>>, vector<16xf32>,
        %mul3A_321 = arith.constant 16 : i32
        %mul3A_322 = arith.muli %scan3A_303, %mul3A_321 : i32
        %add3A_323 = arith.constant 4096 : i32
        %add3A_324 = arith.addi %add3A_323, %mul3A_322 : i32
        %get3A_325 = arith.index_cast %add3A_324 : i32 to index
        %get3A_326 = tpu.vector_load %arg7[%get3A_325] {strides = array<i32>} : memref<6144xf32, #tpu.memory_space<vmem>>, vector<16xf32>,
        %mul3A_327 = arith.constant 16 : i32
        %mul3A_328 = arith.muli %scan3A_303, %mul3A_327 : i32
        %get3A_329 = arith.index_cast %mul3A_328 : i32 to index
        %get3A_330 = tpu.vector_load %arg10[%get3A_329] {strides = array<i32>} : memref<2048xf32, #tpu.memory_space<vmem>>, vector<16xf32>,
        %sub3A_331 = arith.subf %gather3A, %get3A_314 : vector<16xf32>
        %sub3A_332 = arith.subf %gather3A_117, %get3A_320 : vector<16xf32>
        %sub3A_333 = arith.subf %gather3A_123, %get3A_326 : vector<16xf32>
        %mul3A_334 = arith.mulf %sub3A_331, %sub3A_331 : vector<16xf32>
        %mul3A_335 = arith.mulf %sub3A_332, %sub3A_332 : vector<16xf32>
        %add3A_336 = arith.addf %mul3A_334, %mul3A_335 : vector<16xf32>
        %mul3A_337 = arith.mulf %sub3A_333, %sub3A_333 : vector<16xf32>
        %add3A_338 = arith.addf %add3A_336, %mul3A_337 : vector<16xf32>
        %min3A = arith.minimumf %scan3A_304, %add3A_338 : vector<16xf32>
        %min3A_339 = arith.minimumf %get3A_330, %add3A_338 : vector<16xf32>
        %sub3A_340 = arith.subf %gather3A_129, %get3A_314 : vector<16xf32>
        %sub3A_341 = arith.subf %gather3A_135, %get3A_320 : vector<16xf32>
        %sub3A_342 = arith.subf %gather3A_141, %get3A_326 : vector<16xf32>
        %mul3A_343 = arith.mulf %sub3A_340, %sub3A_340 : vector<16xf32>
        %mul3A_344 = arith.mulf %sub3A_341, %sub3A_341 : vector<16xf32>
        %add3A_345 = arith.addf %mul3A_343, %mul3A_344 : vector<16xf32>
        %mul3A_346 = arith.mulf %sub3A_342, %sub3A_342 : vector<16xf32>
        %add3A_347 = arith.addf %add3A_345, %mul3A_346 : vector<16xf32>
        %min3A_348 = arith.minimumf %scan3A_305, %add3A_347 : vector<16xf32>
        %min3A_349 = arith.minimumf %min3A_339, %add3A_347 : vector<16xf32>
        %sub3A_350 = arith.subf %gather3A_147, %get3A_314 : vector<16xf32>
        %sub3A_351 = arith.subf %gather3A_153, %get3A_320 : vector<16xf32>
        %sub3A_352 = arith.subf %gather3A_159, %get3A_326 : vector<16xf32>
        %mul3A_353 = arith.mulf %sub3A_350, %sub3A_350 : vector<16xf32>
        %mul3A_354 = arith.mulf %sub3A_351, %sub3A_351 : vector<16xf32>
        %add3A_355 = arith.addf %mul3A_353, %mul3A_354 : vector<16xf32>
        %mul3A_356 = arith.mulf %sub3A_352, %sub3A_352 : vector<16xf32>
        %add3A_357 = arith.addf %add3A_355, %mul3A_356 : vector<16xf32>
        %min3A_358 = arith.minimumf %scan3A_306, %add3A_357 : vector<16xf32>
        %min3A_359 = arith.minimumf %min3A_349, %add3A_357 : vector<16xf32>
        %sub3A_360 = arith.subf %gather3A_165, %get3A_314 : vector<16xf32>
        %sub3A_361 = arith.subf %gather3A_171, %get3A_320 : vector<16xf32>
        %sub3A_362 = arith.subf %gather3A_177, %get3A_326 : vector<16xf32>
        %mul3A_363 = arith.mulf %sub3A_360, %sub3A_360 : vector<16xf32>
        %mul3A_364 = arith.mulf %sub3A_361, %sub3A_361 : vector<16xf32>
        %add3A_365 = arith.addf %mul3A_363, %mul3A_364 : vector<16xf32>
        %mul3A_366 = arith.mulf %sub3A_362, %sub3A_362 : vector<16xf32>
        %add3A_367 = arith.addf %add3A_365, %mul3A_366 : vector<16xf32>
        %min3A_368 = arith.minimumf %scan3A_307, %add3A_367 : vector<16xf32>
        %min3A_369 = arith.minimumf %min3A_359, %add3A_367 : vector<16xf32>
        %sub3A_370 = arith.subf %gather3A_183, %get3A_314 : vector<16xf32>
        %sub3A_371 = arith.subf %gather3A_189, %get3A_320 : vector<16xf32>
        %sub3A_372 = arith.subf %gather3A_195, %get3A_326 : vector<16xf32>
        %mul3A_373 = arith.mulf %sub3A_370, %sub3A_370 : vector<16xf32>
        %mul3A_374 = arith.mulf %sub3A_371, %sub3A_371 : vector<16xf32>
        %add3A_375 = arith.addf %mul3A_373, %mul3A_374 : vector<16xf32>
        %mul3A_376 = arith.mulf %sub3A_372, %sub3A_372 : vector<16xf32>
        %add3A_377 = arith.addf %add3A_375, %mul3A_376 : vector<16xf32>
        %min3A_378 = arith.minimumf %scan3A_308, %add3A_377 : vector<16xf32>
        %min3A_379 = arith.minimumf %min3A_369, %add3A_377 : vector<16xf32>
        %sub3A_380 = arith.subf %gather3A_201, %get3A_314 : vector<16xf32>
        %sub3A_381 = arith.subf %gather3A_207, %get3A_320 : vector<16xf32>
        %sub3A_382 = arith.subf %gather3A_213, %get3A_326 : vector<16xf32>
        %mul3A_383 = arith.mulf %sub3A_380, %sub3A_380 : vector<16xf32>
        %mul3A_384 = arith.mulf %sub3A_381, %sub3A_381 : vector<16xf32>
        %add3A_385 = arith.addf %mul3A_383, %mul3A_384 : vector<16xf32>
        %mul3A_386 = arith.mulf %sub3A_382, %sub3A_382 : vector<16xf32>
        %add3A_387 = arith.addf %add3A_385, %mul3A_386 : vector<16xf32>
        %min3A_388 = arith.minimumf %scan3A_309, %add3A_387 : vector<16xf32>
        %min3A_389 = arith.minimumf %min3A_379, %add3A_387 : vector<16xf32>
        %sub3A_390 = arith.subf %gather3A_219, %get3A_314 : vector<16xf32>
        %sub3A_391 = arith.subf %gather3A_225, %get3A_320 : vector<16xf32>
        %sub3A_392 = arith.subf %gather3A_231, %get3A_326 : vector<16xf32>
        %mul3A_393 = arith.mulf %sub3A_390, %sub3A_390 : vector<16xf32>
        %mul3A_394 = arith.mulf %sub3A_391, %sub3A_391 : vector<16xf32>
        %add3A_395 = arith.addf %mul3A_393, %mul3A_394 : vector<16xf32>
        %mul3A_396 = arith.mulf %sub3A_392, %sub3A_392 : vector<16xf32>
        %add3A_397 = arith.addf %add3A_395, %mul3A_396 : vector<16xf32>
        %min3A_398 = arith.minimumf %scan3A_310, %add3A_397 : vector<16xf32>
        %min3A_399 = arith.minimumf %min3A_389, %add3A_397 : vector<16xf32>
        %sub3A_400 = arith.subf %gather3A_237, %get3A_314 : vector<16xf32>
        %sub3A_401 = arith.subf %gather3A_243, %get3A_320 : vector<16xf32>
        %sub3A_402 = arith.subf %gather3A_249, %get3A_326 : vector<16xf32>
        %mul3A_403 = arith.mulf %sub3A_400, %sub3A_400 : vector<16xf32>
        %mul3A_404 = arith.mulf %sub3A_401, %sub3A_401 : vector<16xf32>
        %add3A_405 = arith.addf %mul3A_403, %mul3A_404 : vector<16xf32>
        %mul3A_406 = arith.mulf %sub3A_402, %sub3A_402 : vector<16xf32>
        %add3A_407 = arith.addf %add3A_405, %mul3A_406 : vector<16xf32>
        %min3A_408 = arith.minimumf %scan3A_311, %add3A_407 : vector<16xf32>
        %min3A_409 = arith.minimumf %min3A_399, %add3A_407 : vector<16xf32>
        %mul3A_410 = arith.constant 16 : i32
        %mul3A_411 = arith.muli %scan3A_303, %mul3A_410 : i32
        %swap3A_412 = arith.index_cast %mul3A_411 : i32 to index
        %swap3A_413 = tpu.vector_load %arg10[%swap3A_412] {strides = array<i32>} : memref<2048xf32, #tpu.memory_space<vmem>>, vector<16xf32>,
        tpu.vector_store %arg10[%swap3A_412], %min3A_409 {strides = array<i32>} : memref<2048xf32, #tpu.memory_space<vmem>>, vector<16xf32>,
        scf.yield %min3A, %min3A_348, %min3A_358, %min3A_368, %min3A_378, %min3A_388, %min3A_398, %min3A_408 : vector<16xf32>, vector<16xf32>, vector<16xf32>, vector<16xf32>, vector<16xf32>, vector<16xf32>, vector<16xf32>, vector<16xf32>
      }
      %scan3A_255 = arith.constant 128 : i32
      %add3A_256 = arith.constant 0 : i32
      %add3A_257 = arith.addi %mul3A_106, %add3A_256 : i32
      %mul3A_258 = arith.constant 16 : i32
      %mul3A_259 = arith.muli %add3A_257, %mul3A_258 : i32
      %swap3A = arith.index_cast %mul3A_259 : i32 to index
      %swap3A_260 = tpu.vector_load %arg8[%swap3A] {strides = array<i32>} : memref<2048xf32, #tpu.memory_space<vmem>>, vector<16xf32>,
      tpu.vector_store %arg8[%swap3A], %scan3A_254#0 {strides = array<i32>} : memref<2048xf32, #tpu.memory_space<vmem>>, vector<16xf32>,
      %add3A_261 = arith.constant 1 : i32
      %add3A_262 = arith.addi %mul3A_106, %add3A_261 : i32
      %mul3A_263 = arith.constant 16 : i32
      %mul3A_264 = arith.muli %add3A_262, %mul3A_263 : i32
      %swap3A_265 = arith.index_cast %mul3A_264 : i32 to index
      %swap3A_266 = tpu.vector_load %arg8[%swap3A_265] {strides = array<i32>} : memref<2048xf32, #tpu.memory_space<vmem>>, vector<16xf32>,
      tpu.vector_store %arg8[%swap3A_265], %scan3A_254#1 {strides = array<i32>} : memref<2048xf32, #tpu.memory_space<vmem>>, vector<16xf32>,
      %add3A_267 = arith.constant 2 : i32
      %add3A_268 = arith.addi %mul3A_106, %add3A_267 : i32
      %mul3A_269 = arith.constant 16 : i32
      %mul3A_270 = arith.muli %add3A_268, %mul3A_269 : i32
      %swap3A_271 = arith.index_cast %mul3A_270 : i32 to index
      %swap3A_272 = tpu.vector_load %arg8[%swap3A_271] {strides = array<i32>} : memref<2048xf32, #tpu.memory_space<vmem>>, vector<16xf32>,
      tpu.vector_store %arg8[%swap3A_271], %scan3A_254#2 {strides = array<i32>} : memref<2048xf32, #tpu.memory_space<vmem>>, vector<16xf32>,
      %add3A_273 = arith.constant 3 : i32
      %add3A_274 = arith.addi %mul3A_106, %add3A_273 : i32
      %mul3A_275 = arith.constant 16 : i32
      %mul3A_276 = arith.muli %add3A_274, %mul3A_275 : i32
      %swap3A_277 = arith.index_cast %mul3A_276 : i32 to index
      %swap3A_278 = tpu.vector_load %arg8[%swap3A_277] {strides = array<i32>} : memref<2048xf32, #tpu.memory_space<vmem>>, vector<16xf32>,
      tpu.vector_store %arg8[%swap3A_277], %scan3A_254#3 {strides = array<i32>} : memref<2048xf32, #tpu.memory_space<vmem>>, vector<16xf32>,
      %add3A_279 = arith.constant 4 : i32
      %add3A_280 = arith.addi %mul3A_106, %add3A_279 : i32
      %mul3A_281 = arith.constant 16 : i32
      %mul3A_282 = arith.muli %add3A_280, %mul3A_281 : i32
      %swap3A_283 = arith.index_cast %mul3A_282 : i32 to index
      %swap3A_284 = tpu.vector_load %arg8[%swap3A_283] {strides = array<i32>} : memref<2048xf32, #tpu.memory_space<vmem>>, vector<16xf32>,
      tpu.vector_store %arg8[%swap3A_283], %scan3A_254#4 {strides = array<i32>} : memref<2048xf32, #tpu.memory_space<vmem>>, vector<16xf32>,
      %add3A_285 = arith.constant 5 : i32
      %add3A_286 = arith.addi %mul3A_106, %add3A_285 : i32
      %mul3A_287 = arith.constant 16 : i32
      %mul3A_288 = arith.muli %add3A_286, %mul3A_287 : i32
      %swap3A_289 = arith.index_cast %mul3A_288 : i32 to index
      %swap3A_290 = tpu.vector_load %arg8[%swap3A_289] {strides = array<i32>} : memref<2048xf32, #tpu.memory_space<vmem>>, vector<16xf32>,
      tpu.vector_store %arg8[%swap3A_289], %scan3A_254#5 {strides = array<i32>} : memref<2048xf32, #tpu.memory_space<vmem>>, vector<16xf32>,
      %add3A_291 = arith.constant 6 : i32
      %add3A_292 = arith.addi %mul3A_106, %add3A_291 : i32
      %mul3A_293 = arith.constant 16 : i32
      %mul3A_294 = arith.muli %add3A_292, %mul3A_293 : i32
      %swap3A_295 = arith.index_cast %mul3A_294 : i32 to index
      %swap3A_296 = tpu.vector_load %arg8[%swap3A_295] {strides = array<i32>} : memref<2048xf32, #tpu.memory_space<vmem>>, vector<16xf32>,
      tpu.vector_store %arg8[%swap3A_295], %scan3A_254#6 {strides = array<i32>} : memref<2048xf32, #tpu.memory_space<vmem>>, vector<16xf32>,
      %add3A_297 = arith.constant 7 : i32
      %add3A_298 = arith.addi %mul3A_106, %add3A_297 : i32
      %mul3A_299 = arith.constant 16 : i32
      %mul3A_300 = arith.muli %add3A_298, %mul3A_299 : i32
      %swap3A_301 = arith.index_cast %mul3A_300 : i32 to index
      %swap3A_302 = tpu.vector_load %arg8[%swap3A_301] {strides = array<i32>} : memref<2048xf32, #tpu.memory_space<vmem>>, vector<16xf32>,
      tpu.vector_store %arg8[%swap3A_301], %scan3A_254#7 {strides = array<i32>} : memref<2048xf32, #tpu.memory_space<vmem>>, vector<16xf32>,
    }
    %scan3A_87 = arith.constant 16 : i32
    %iota3A = tpu.iota {dimensions = array<i32: 0>} : vector<16xi32>
    %scan3A_88 = arith.constant 0 : i32
    %scan3A_89 = arith.constant 0 : i32
    %scan3A_90 = arith.constant 8 : i32
    %scan3A_91 = arith.addi %scan3A_89, %scan3A_90 : i32
    %scan3A_92 = arith.constant 1 : i32
    scf.for %scan3A_104 = %scan3A_89 to %scan3A_91 step %scan3A_92  : i32 {
      %mul3A_105 = arith.constant 16 : i32
      %mul3A_106 = arith.muli %scan3A_104, %mul3A_105 : i32
      %add3A_107 = vector.broadcast %mul3A_106 : i32 to vector<16xi32>
      %add3A_108 = arith.addi %add3A_107, %iota3A : vector<16xi32>
      %mul3A_109 = arith.constant 16 : i32
      %mul3A_110 = vector.broadcast %mul3A_109 : i32 to vector<16xi32>
      %mul3A_111 = arith.muli %add3A_108, %mul3A_110 : vector<16xi32>
      %gather3A = tpu.vector_load_idx %arg8[%mul3A_111] : memref<2048xf32, #tpu.memory_space<vmem>>[vector<16xi32>], vector<16xf32>,
      %add3A_112 = arith.constant 1 : i32
      %add3A_113 = vector.broadcast %add3A_112 : i32 to vector<16xi32>
      %add3A_114 = arith.addi %mul3A_111, %add3A_113 : vector<16xi32>
      %gather3A_115 = tpu.vector_load_idx %arg8[%add3A_114] : memref<2048xf32, #tpu.memory_space<vmem>>[vector<16xi32>], vector<16xf32>,
      %min3A = arith.minimumf %gather3A, %gather3A_115 : vector<16xf32>
      %add3A_116 = arith.constant 2 : i32
      %add3A_117 = vector.broadcast %add3A_116 : i32 to vector<16xi32>
      %add3A_118 = arith.addi %mul3A_111, %add3A_117 : vector<16xi32>
      %gather3A_119 = tpu.vector_load_idx %arg8[%add3A_118] : memref<2048xf32, #tpu.memory_space<vmem>>[vector<16xi32>], vector<16xf32>,
      %min3A_120 = arith.minimumf %min3A, %gather3A_119 : vector<16xf32>
      %add3A_121 = arith.constant 3 : i32
      %add3A_122 = vector.broadcast %add3A_121 : i32 to vector<16xi32>
      %add3A_123 = arith.addi %mul3A_111, %add3A_122 : vector<16xi32>
      %gather3A_124 = tpu.vector_load_idx %arg8[%add3A_123] : memref<2048xf32, #tpu.memory_space<vmem>>[vector<16xi32>], vector<16xf32>,
      %min3A_125 = arith.minimumf %min3A_120, %gather3A_124 : vector<16xf32>
      %add3A_126 = arith.constant 4 : i32
      %add3A_127 = vector.broadcast %add3A_126 : i32 to vector<16xi32>
      %add3A_128 = arith.addi %mul3A_111, %add3A_127 : vector<16xi32>
      %gather3A_129 = tpu.vector_load_idx %arg8[%add3A_128] : memref<2048xf32, #tpu.memory_space<vmem>>[vector<16xi32>], vector<16xf32>,
      %min3A_130 = arith.minimumf %min3A_125, %gather3A_129 : vector<16xf32>
      %add3A_131 = arith.constant 5 : i32
      %add3A_132 = vector.broadcast %add3A_131 : i32 to vector<16xi32>
      %add3A_133 = arith.addi %mul3A_111, %add3A_132 : vector<16xi32>
      %gather3A_134 = tpu.vector_load_idx %arg8[%add3A_133] : memref<2048xf32, #tpu.memory_space<vmem>>[vector<16xi32>], vector<16xf32>,
      %min3A_135 = arith.minimumf %min3A_130, %gather3A_134 : vector<16xf32>
      %add3A_136 = arith.constant 6 : i32
      %add3A_137 = vector.broadcast %add3A_136 : i32 to vector<16xi32>
      %add3A_138 = arith.addi %mul3A_111, %add3A_137 : vector<16xi32>
      %gather3A_139 = tpu.vector_load_idx %arg8[%add3A_138] : memref<2048xf32, #tpu.memory_space<vmem>>[vector<16xi32>], vector<16xf32>,
      %min3A_140 = arith.minimumf %min3A_135, %gather3A_139 : vector<16xf32>
      %add3A_141 = arith.constant 7 : i32
      %add3A_142 = vector.broadcast %add3A_141 : i32 to vector<16xi32>
      %add3A_143 = arith.addi %mul3A_111, %add3A_142 : vector<16xi32>
      %gather3A_144 = tpu.vector_load_idx %arg8[%add3A_143] : memref<2048xf32, #tpu.memory_space<vmem>>[vector<16xi32>], vector<16xf32>,
      %min3A_145 = arith.minimumf %min3A_140, %gather3A_144 : vector<16xf32>
      %add3A_146 = arith.constant 8 : i32
      %add3A_147 = vector.broadcast %add3A_146 : i32 to vector<16xi32>
      %add3A_148 = arith.addi %mul3A_111, %add3A_147 : vector<16xi32>
      %gather3A_149 = tpu.vector_load_idx %arg8[%add3A_148] : memref<2048xf32, #tpu.memory_space<vmem>>[vector<16xi32>], vector<16xf32>,
      %min3A_150 = arith.minimumf %min3A_145, %gather3A_149 : vector<16xf32>
      %add3A_151 = arith.constant 9 : i32
      %add3A_152 = vector.broadcast %add3A_151 : i32 to vector<16xi32>
      %add3A_153 = arith.addi %mul3A_111, %add3A_152 : vector<16xi32>
      %gather3A_154 = tpu.vector_load_idx %arg8[%add3A_153] : memref<2048xf32, #tpu.memory_space<vmem>>[vector<16xi32>], vector<16xf32>,
      %min3A_155 = arith.minimumf %min3A_150, %gather3A_154 : vector<16xf32>
      %add3A_156 = arith.constant 10 : i32
      %add3A_157 = vector.broadcast %add3A_156 : i32 to vector<16xi32>
      %add3A_158 = arith.addi %mul3A_111, %add3A_157 : vector<16xi32>
      %gather3A_159 = tpu.vector_load_idx %arg8[%add3A_158] : memref<2048xf32, #tpu.memory_space<vmem>>[vector<16xi32>], vector<16xf32>,
      %min3A_160 = arith.minimumf %min3A_155, %gather3A_159 : vector<16xf32>
      %add3A_161 = arith.constant 11 : i32
      %add3A_162 = vector.broadcast %add3A_161 : i32 to vector<16xi32>
      %add3A_163 = arith.addi %mul3A_111, %add3A_162 : vector<16xi32>
      %gather3A_164 = tpu.vector_load_idx %arg8[%add3A_163] : memref<2048xf32, #tpu.memory_space<vmem>>[vector<16xi32>], vector<16xf32>,
      %min3A_165 = arith.minimumf %min3A_160, %gather3A_164 : vector<16xf32>
      %add3A_166 = arith.constant 12 : i32
      %add3A_167 = vector.broadcast %add3A_166 : i32 to vector<16xi32>
      %add3A_168 = arith.addi %mul3A_111, %add3A_167 : vector<16xi32>
      %gather3A_169 = tpu.vector_load_idx %arg8[%add3A_168] : memref<2048xf32, #tpu.memory_space<vmem>>[vector<16xi32>], vector<16xf32>,
      %min3A_170 = arith.minimumf %min3A_165, %gather3A_169 : vector<16xf32>
      %add3A_171 = arith.constant 13 : i32
      %add3A_172 = vector.broadcast %add3A_171 : i32 to vector<16xi32>
      %add3A_173 = arith.addi %mul3A_111, %add3A_172 : vector<16xi32>
      %gather3A_174 = tpu.vector_load_idx %arg8[%add3A_173] : memref<2048xf32, #tpu.memory_space<vmem>>[vector<16xi32>], vector<16xf32>,
      %min3A_175 = arith.minimumf %min3A_170, %gather3A_174 : vector<16xf32>
      %add3A_176 = arith.constant 14 : i32
      %add3A_177 = vector.broadcast %add3A_176 : i32 to vector<16xi32>
      %add3A_178 = arith.addi %mul3A_111, %add3A_177 : vector<16xi32>
      %gather3A_179 = tpu.vector_load_idx %arg8[%add3A_178] : memref<2048xf32, #tpu.memory_space<vmem>>[vector<16xi32>], vector<16xf32>,
      %min3A_180 = arith.minimumf %min3A_175, %gather3A_179 : vector<16xf32>
      %add3A_181 = arith.constant 15 : i32
      %add3A_182 = vector.broadcast %add3A_181 : i32 to vector<16xi32>
      %add3A_183 = arith.addi %mul3A_111, %add3A_182 : vector<16xi32>
      %gather3A_184 = tpu.vector_load_idx %arg8[%add3A_183] : memref<2048xf32, #tpu.memory_space<vmem>>[vector<16xi32>], vector<16xf32>,
      %min3A_185 = arith.minimumf %min3A_180, %gather3A_184 : vector<16xf32>
      %mul3A_186 = arith.constant 16 : i32
      %mul3A_187 = arith.muli %scan3A_104, %mul3A_186 : i32
      %swap3A = arith.index_cast %mul3A_187 : i32 to index
      %swap3A_188 = tpu.vector_load %arg9[%swap3A] {strides = array<i32>} : memref<128xf32, #tpu.memory_space<vmem>>, vector<16xf32>,
      tpu.vector_store %arg9[%swap3A], %min3A_185 {strides = array<i32>} : memref<128xf32, #tpu.memory_space<vmem>>, vector<16xf32>,
    }
    %scan3A_93 = arith.constant 8 : i32
    %mul3A_94 = arith.constant 2048 : i32
    %mul3A_95 = arith.muli %select_n3A, %mul3A_94 : i32
    %mul3A_96 = arith.constant 128 : i32
    %mul3A_97 = arith.muli %select_n3A_30, %mul3A_96 : i32
    %add3A_98 = arith.addi %mul3A_95, %mul3A_97 : i32
    "tpu.region"() ({
      %run_scoped3A = tpu.sem_alloc : memref<!tpu.dma_semaphore, #tpu.memory_space<semaphore_mem>>
      %dma_start3A = tpu.memref_slice %arg4[%add3A_98] : memref<4096xf32, #tpu.memory_space<hbm>> -> memref<128xf32, #tpu.memory_space<hbm>>
      %dma_start3A_104 = tpu.memref_slice %arg4[%add3A_98] : memref<4096xf32, #tpu.memory_space<hbm>> -> memref<128xf32, #tpu.memory_space<hbm>>
      tpu.enqueue_dma source(%arg9 : memref<128xf32, #tpu.memory_space<vmem>>) target(%dma_start3A_104 : memref<128xf32, #tpu.memory_space<hbm>>) target_semaphore(%run_scoped3A : memref<!tpu.dma_semaphore, #tpu.memory_space<semaphore_mem>>)
      %dma_wait3A = tpu.memref_slice %arg4[%add3A_98] : memref<4096xf32, #tpu.memory_space<hbm>> -> memref<128xf32, #tpu.memory_space<hbm>>
      %dma_wait3A_105 = tpu.memref_slice %arg4[%add3A_98] : memref<4096xf32, #tpu.memory_space<hbm>> -> memref<128xf32, #tpu.memory_space<hbm>>
      tpu.wait_dma2 semaphore(%run_scoped3A : memref<!tpu.dma_semaphore, #tpu.memory_space<semaphore_mem>>) src(%arg9 : memref<128xf32, #tpu.memory_space<vmem>>) dst(%dma_wait3A_105 : memref<128xf32, #tpu.memory_space<hbm>>)
      tpu.yield
    }) : () -> ()
    %mul3A_99 = arith.constant 16 : i32
    %mul3A_100 = arith.muli %select_n3A, %mul3A_99 : i32
    %add3A_101 = arith.addi %mul3A_100, %select_n3A_30 : i32
    %mul3A_102 = arith.constant 2048 : i32
    %mul3A_103 = arith.muli %add3A_101, %mul3A_102 : i32
    "tpu.region"() ({
      %run_scoped3A = tpu.sem_alloc : memref<!tpu.dma_semaphore, #tpu.memory_space<semaphore_mem>>
      %dma_start3A = tpu.memref_slice %arg5[%mul3A_103] : memref<65536xf32, #tpu.memory_space<hbm>> -> memref<2048xf32, #tpu.memory_space<hbm>>
      %dma_start3A_104 = tpu.memref_slice %arg5[%mul3A_103] : memref<65536xf32, #tpu.memory_space<hbm>> -> memref<2048xf32, #tpu.memory_space<hbm>>
      tpu.enqueue_dma source(%arg10 : memref<2048xf32, #tpu.memory_space<vmem>>) target(%dma_start3A_104 : memref<2048xf32, #tpu.memory_space<hbm>>) target_semaphore(%run_scoped3A : memref<!tpu.dma_semaphore, #tpu.memory_space<semaphore_mem>>)
      %dma_wait3A = tpu.memref_slice %arg5[%mul3A_103] : memref<65536xf32, #tpu.memory_space<hbm>> -> memref<2048xf32, #tpu.memory_space<hbm>>
      %dma_wait3A_105 = tpu.memref_slice %arg5[%mul3A_103] : memref<65536xf32, #tpu.memory_space<hbm>> -> memref<2048xf32, #tpu.memory_space<hbm>>
      tpu.wait_dma2 semaphore(%run_scoped3A : memref<!tpu.dma_semaphore, #tpu.memory_space<semaphore_mem>>) src(%arg10 : memref<2048xf32, #tpu.memory_space<vmem>>) dst(%dma_wait3A_105 : memref<2048xf32, #tpu.memory_space<hbm>>)
      tpu.yield
    }) : () -> ()
    return
  }
}

module attributes {stable_mosaic.version = 14 : i64} {
  func.func @_tc_body(%arg0: i32, %arg1: i32, %arg2: memref<1x2048x3xf32, #tpu.memory_space<vmem>>, %arg3: memref<1x3x2048xf32, #tpu.memory_space<vmem>>, %arg4: memref<1x1x2048xf32, #tpu.memory_space<vmem>>, %arg5: memref<1x1x2048xf32, #tpu.memory_space<vmem>>) attributes {dimension_semantics = [#tpu.dimension_semantics<arbitrary>, #tpu.dimension_semantics<arbitrary>], iteration_bounds = array<i64: 6, 1>, scalar_prefetch = 0 : i64, scratch_operands = 0 : i64, tpu.core_type = #tpu.core_type<tc>, window_params = [{transform_indices = @transform_0, window_bounds = array<i64: 1, 2048, 3>}, {transform_indices = @transform_1, window_bounds = array<i64: 1, 3, 2048>}, {transform_indices = @transform_2, window_bounds = array<i64: 1, 1, 2048>}, {transform_indices = @transform_3, window_bounds = array<i64: 1, 1, 2048>}]} {
    %get3A = arith.constant 0 : index
    %get3A_0 = arith.constant 0 : index
    %get3A_1 = arith.constant 0 : index
    %get3A_2 = vector.load %arg2[%get3A, %get3A_0, %get3A_1] : memref<1x2048x3xf32, #tpu.memory_space<vmem>>, vector<1x2048x3xf32>
    %get3A_3 = vector.shape_cast %get3A_2 : vector<1x2048x3xf32> to vector<2048x3xf32>
    %get3A_4 = arith.constant 0 : index
    %get3A_5 = arith.constant 0 : index
    %get3A_6 = arith.constant 0 : index
    %get3A_7 = vector.load %arg3[%get3A_4, %get3A_5, %get3A_6] : memref<1x3x2048xf32, #tpu.memory_space<vmem>>, vector<1x3x2048xf32>
    %get3A_8 = vector.shape_cast %get3A_7 : vector<1x3x2048xf32> to vector<3x2048xf32>
    %slice3A = vector.extract_strided_slice %get3A_3 {offsets = [0, 0], sizes = [2048, 1], strides = [1, 1]} : vector<2048x3xf32> to vector<2048x1xf32>
    %slice3A_9 = vector.extract_strided_slice %get3A_8 {offsets = [0, 0], sizes = [1, 2048], strides = [1, 1]} : vector<3x2048xf32> to vector<1x2048xf32>
    %sub3A = vector.broadcast %slice3A : vector<2048x1xf32> to vector<2048x2048xf32>
    %sub3A_10 = vector.broadcast %slice3A_9 : vector<1x2048xf32> to vector<2048x2048xf32>
    %sub3A_11 = arith.subf %sub3A, %sub3A_10 : vector<2048x2048xf32>
    %slice3A_12 = vector.extract_strided_slice %get3A_3 {offsets = [0, 1], sizes = [2048, 1], strides = [1, 1]} : vector<2048x3xf32> to vector<2048x1xf32>
    %slice3A_13 = vector.extract_strided_slice %get3A_8 {offsets = [1, 0], sizes = [1, 2048], strides = [1, 1]} : vector<3x2048xf32> to vector<1x2048xf32>
    %sub3A_14 = vector.broadcast %slice3A_12 : vector<2048x1xf32> to vector<2048x2048xf32>
    %sub3A_15 = vector.broadcast %slice3A_13 : vector<1x2048xf32> to vector<2048x2048xf32>
    %sub3A_16 = arith.subf %sub3A_14, %sub3A_15 : vector<2048x2048xf32>
    %slice3A_17 = vector.extract_strided_slice %get3A_3 {offsets = [0, 2], sizes = [2048, 1], strides = [1, 1]} : vector<2048x3xf32> to vector<2048x1xf32>
    %slice3A_18 = vector.extract_strided_slice %get3A_8 {offsets = [2, 0], sizes = [1, 2048], strides = [1, 1]} : vector<3x2048xf32> to vector<1x2048xf32>
    %sub3A_19 = vector.broadcast %slice3A_17 : vector<2048x1xf32> to vector<2048x2048xf32>
    %sub3A_20 = vector.broadcast %slice3A_18 : vector<1x2048xf32> to vector<2048x2048xf32>
    %sub3A_21 = arith.subf %sub3A_19, %sub3A_20 : vector<2048x2048xf32>
    %mul3A = arith.mulf %sub3A_11, %sub3A_11 : vector<2048x2048xf32>
    %mul3A_22 = arith.mulf %sub3A_16, %sub3A_16 : vector<2048x2048xf32>
    %add3A = arith.addf %mul3A, %mul3A_22 : vector<2048x2048xf32>
    %mul3A_23 = arith.mulf %sub3A_21, %sub3A_21 : vector<2048x2048xf32>
    %add3A_24 = arith.addf %add3A, %mul3A_23 : vector<2048x2048xf32>
    %reduce_min3A = arith.constant dense<0x7F800000> : vector<2048xf32>
    %reduce_min3A_25 = vector.multi_reduction <minimumf>, %add3A_24, %reduce_min3A [1] : vector<2048x2048xf32> to vector<2048xf32>
    %swap3A = arith.constant 0 : index
    %swap3A_26 = arith.constant 0 : index
    %swap3A_27 = arith.constant 0 : index
    %swap3A_28 = vector.load %arg4[%swap3A, %swap3A_26, %swap3A_27] : memref<1x1x2048xf32, #tpu.memory_space<vmem>>, vector<1x1x2048xf32>
    %swap3A_29 = vector.shape_cast %swap3A_28 : vector<1x1x2048xf32> to vector<2048xf32>
    %swap3A_30 = vector.shape_cast %reduce_min3A_25 : vector<2048xf32> to vector<1x1x2048xf32>
    tpu.vector_store %arg4[%swap3A, %swap3A_26, %swap3A_27], %swap3A_30 {strides = array<i32>} : memref<1x1x2048xf32, #tpu.memory_space<vmem>>, vector<1x1x2048xf32>,
    %reduce_min3A_31 = arith.constant dense<0x7F800000> : vector<2048xf32>
    %reduce_min3A_32 = vector.multi_reduction <minimumf>, %add3A_24, %reduce_min3A_31 [0] : vector<2048x2048xf32> to vector<2048xf32>
    %eq3A = arith.constant 0 : i32
    %eq3A_33 = arith.cmpi eq, %arg1, %eq3A : i32
    %convert_element_type3A = arith.extui %eq3A_33 : i1 to i32
    %cond3A = arith.constant 0 : i32
    %cond3A_34 = arith.cmpi ne, %convert_element_type3A, %cond3A : i32
    scf.if %cond3A_34 {
      %swap3A_39 = arith.constant 0 : index
      %swap3A_40 = arith.constant 0 : index
      %swap3A_41 = arith.constant 0 : index
      %swap3A_42 = vector.load %arg5[%swap3A_39, %swap3A_40, %swap3A_41] : memref<1x1x2048xf32, #tpu.memory_space<vmem>>, vector<1x1x2048xf32>
      %swap3A_43 = vector.shape_cast %swap3A_42 : vector<1x1x2048xf32> to vector<2048xf32>
      %swap3A_44 = vector.shape_cast %reduce_min3A_32 : vector<2048xf32> to vector<1x1x2048xf32>
      tpu.vector_store %arg5[%swap3A_39, %swap3A_40, %swap3A_41], %swap3A_44 {strides = array<i32>} : memref<1x1x2048xf32, #tpu.memory_space<vmem>>, vector<1x1x2048xf32>,
    } else {
    }
    %ne3A = arith.constant 0 : i32
    %ne3A_35 = arith.cmpi ne, %arg1, %ne3A : i32
    %convert_element_type3A_36 = arith.extui %ne3A_35 : i1 to i32
    %cond3A_37 = arith.constant 0 : i32
    %cond3A_38 = arith.cmpi ne, %convert_element_type3A_36, %cond3A_37 : i32
    scf.if %cond3A_38 {
      %get3A_39 = arith.constant 0 : index
      %get3A_40 = arith.constant 0 : index
      %get3A_41 = arith.constant 0 : index
      %get3A_42 = vector.load %arg5[%get3A_39, %get3A_40, %get3A_41] : memref<1x1x2048xf32, #tpu.memory_space<vmem>>, vector<1x1x2048xf32>
      %get3A_43 = vector.shape_cast %get3A_42 : vector<1x1x2048xf32> to vector<2048xf32>
      %min3A = arith.minimumf %get3A_43, %reduce_min3A_32 : vector<2048xf32>
      %swap3A_44 = arith.constant 0 : index
      %swap3A_45 = arith.constant 0 : index
      %swap3A_46 = arith.constant 0 : index
      %swap3A_47 = vector.load %arg5[%swap3A_44, %swap3A_45, %swap3A_46] : memref<1x1x2048xf32, #tpu.memory_space<vmem>>, vector<1x1x2048xf32>
      %swap3A_48 = vector.shape_cast %swap3A_47 : vector<1x1x2048xf32> to vector<2048xf32>
      %swap3A_49 = vector.shape_cast %min3A : vector<2048xf32> to vector<1x1x2048xf32>
      tpu.vector_store %arg5[%swap3A_44, %swap3A_45, %swap3A_46], %swap3A_49 {strides = array<i32>} : memref<1x1x2048xf32, #tpu.memory_space<vmem>>, vector<1x1x2048xf32>,
    } else {
    }
    return
  }
  func.func @transform_0(%arg0: i32, %arg1: i32) -> (i32, i32, i32) {
    %c0_i32 = arith.constant 0 : i32
    %c0_i32_0 = arith.constant 0 : i32
    return %arg0, %arg1, %c0_i32 : i32, i32, i32
  }
  func.func @transform_1(%arg0: i32, %arg1: i32) -> (i32, i32, i32) {
    %c0_i32 = arith.constant 0 : i32
    %c0_i32_0 = arith.constant 0 : i32
    %c0_i32_1 = arith.constant 0 : i32
    return %arg0, %c0_i32, %c0_i32_0 : i32, i32, i32
  }
  func.func @transform_2(%arg0: i32, %arg1: i32) -> (i32, i32, i32) {
    %mul3A = arith.constant 1 : i32
    %mul3A_0 = arith.muli %arg0, %mul3A : i32
    %add3A = arith.addi %mul3A_0, %arg1 : i32
    %c0_i32 = arith.constant 0 : i32
    %c0_i32_1 = arith.constant 0 : i32
    %c0_i32_2 = arith.constant 0 : i32
    return %add3A, %c0_i32, %c0_i32_1 : i32, i32, i32
  }
  func.func @transform_3(%arg0: i32, %arg1: i32) -> (i32, i32, i32) {
    %c0_i32 = arith.constant 0 : i32
    %c0_i32_0 = arith.constant 0 : i32
    %c0_i32_1 = arith.constant 0 : i32
    return %arg0, %c0_i32, %c0_i32_0 : i32, i32, i32
  }
}

</mosaic_0001>

<sc_bundles>
// kernel: kernel.4.cloned.1.call-start
scs
__scs_entry_jumppad:
0x0: {  	(pc) =	sbr.rel $0x88, $3  }
0x1: {  	(tag) =	ssettag $0x0;
	lr =	simm.s32 $0x1  }
0x2: {  	[smem:$0x3F9F] =	sst lr;
	_ =	strace $0xD0000000  }
0x3: {  	_ = 	snop  }
0x4: {  	_ = 	snop  }
0x5: {  	_ = 	snop  }
0x6: {  	_ = 	snop  }
0x7: {  	_ = 	snop  }
__scs_overlays_trampoline_lowered:
0x8: {  	[smem:$0x3FAE] =	sst s0  }
0x9: {  	[smem:$0x3FAF] =	sst s1  }
0xa: {  	[smem:$0x3FB0] =	sst s2  }
0xb: {  	[smem:$0x3FB1] =	sst s3  }
0xc: {  	[smem:$0x3FB2] =	sst s4  }
0xd: {  	[smem:$0x3FB3] =	sst s5  }
0xe: {  	[smem:$0x3FB4] =	sst s6  }
0xf: {  	[smem:$0x3FB5] =	sst s7  }
0x10: {  	[smem:$0x3FB6] =	sst s8  }
0x11: {  	[smem:$0x3FB7] =	sst s9;
	s0 =	simm.s32 @!p0 $0x0  }
0x12: {  	s1 =	sld [smem:$0x3F9D];
	s0 =	simm.s32 @p0 $0x1  }
0x13: {  	[smem:$0x3FB8] =	sst s0;
	s0 =	simm.s32 @!p1 $0x0  }
0x14: {  	s2 =	sld [smem:$0x3F9C];
	s0 =	simm.s32 @p1 $0x1  }
0x15: {  	[smem:$0x3FB9] =	sst s0;
	s0 =	simm.s32 @!p2 $0x0  }
0x16: {  	s3 =	sld [smem:$0x3FDB];
	s0 =	simm.s32 @p2 $0x1  }
0x17: {  	s4 =	simm.s32 $0x1BF5;
	[smem:$0x3FBB] =	sst s0  }
0x18: {  	s0 =	sld [smem:$0x3F9E];
	_ =	swait.ge [sflag:s4], $0x0  }
0x19: {  	s7 =	sld [smem:$0x3F9F]  }
0x1a: {  	s8 =	sadd.s32 $0xFFFFE003, lr  }
0x1b: {  	s9 =	sadd.s32 $0xFFFFFEF7, lr;
	s5 =	simm.s32 $0xFFFFFFFF;
	p2 =	slt.u32 s8, $0xFFFFF086  }
0x1c: {  	p1 =	slt.u32 s9, $0xF7A;
	s5 =	simm.s32 @!p2 $0x0  }
0x1d: {  	s5 =	simm.s32 @p1 $0x1;
	p0 =	seq.s32 s7, s2  }
0x1e: {  	s7 =	smul.u32 @!p0 $0xF7A, s2;
	p2 =	seq.s32 @!p0 s5, $0x0  }
0x1f: {  	s9 =	smul.u32 $0xF7A, s1;
	s8 =	simm.s32 @!p0 $0x1BF5;
	p2 =	por !p2, p0  }
0x20: {  	[sflag:s8] =	ssyncset.s32 @!p0 $0xFFFFF086;
	s6 =	sadd.s32 @!p0 s3, s7;
	s7 =	simm.s32 @!p0 $0x108  }
0x21: {  	s3 =	sadd.s32 s3, s9;
	s6 =	sadd.s32 @!p0 $0x88, s6;
	s7 =	simm.s32 @p2 $0x1082  }
0x22: {  	[simem:s7], [sflag:s8] =	dma.local @!p0 [hbm:s6], $0xF7A  }
0x23: {  	s9 =	sor.u32 $0xD0000000, s2;
	s6 =	simm.s32 $0x108;
	_ =	swait.ge @!p0 [sflag:s8], $0x0  }
0x24: {  	s3 =	sadd.s32 $0x88, s3;
	s6 =	simm.s32 @!p1 $0x1082;
	[sflag:s4] =	ssyncset.s32 $0xFFFFF086  }
0x25: {  	[simem:s6], [sflag:s4] =	dma.local [hbm:s3], $0xF7A  }
0x26: {  	[smem:$0x3F9F] =	sst s1;
	(tag) =	ssettag s2;
	_ =	strace s9  }
0x27: {  	s1 =	sld [smem:$0x3FAF]  }
0x28: {  	s2 =	sld [smem:$0x3FB0]  }
0x29: {  	s4 =	sld [smem:$0x3FB2]  }
0x2a: {  	p0 =	seq.s32 s5, $0x0;
	s5 =	sld [smem:$0x3FB3]  }
0x2b: {  	s6 =	sld [smem:$0x3FB4]  }
0x2c: {  	s7 =	sld [smem:$0x3FB5]  }
0x2d: {  	s3 =	simm.s32 $0x108;
	s8 =	sld [smem:$0x3FB6]  }
0x2e: {  	s3 =	simm.s32 @!p0 $0x1082;
	s9 =	sld [smem:$0x3FB7]  }
0x2f: {  	lr =	sadd.s32 s0, s3;
	s0 =	sld [smem:$0x3FAE]  }
0x30: {  	s3 =	sld [smem:$0x3FB1]  }
0x31: {  	[smem:$0x3FBA] =	sst s10  }
0x32: {  	s10 =	sld [smem:$0x3FB8];
	_ =	sdelay $0x3  }
0x33: {  	p0 =	seq.s32 s10, $0x1;
	s10 =	sld [smem:$0x3FBA];
	_ =	sdelay $0x3  }
0x34: {  	[smem:$0x3FBA] =	sst s10  }
0x35: {  	s10 =	sld [smem:$0x3FB9];
	_ =	sdelay $0x3  }
0x36: {  	p1 =	seq.s32 s10, $0x1;
	s10 =	sld [smem:$0x3FBA];
	_ =	sdelay $0x3  }
0x37: {  	[smem:$0x3FBA] =	sst s10  }
0x38: {  	s10 =	sld [smem:$0x3FBB]  }
0x39: {  	_ = 	snop;
	(pc) =	sbr.ind lr, $3  }
0x3a: {  	_ = 	snop  }
0x3b: {  	_ = 	snop  }
0x3c: {  	p2 =	seq.s32 s10, $0x1;
	s10 =	sld [smem:$0x3FBA]  }
0x3d: {  	_ =	shalt  }
0x3e: {  	_ =	shalt  }
0x3f: {  	_ =	shalt  }
0x40: {  	_ =	shalt  }
0x41: {  	_ =	shalt  }
0x42: {  	_ =	shalt  }
0x43: {  	_ =	shalt  }
0x44: {  	_ =	shalt  }
0x45: {  	_ =	shalt  }
0x46: {  	_ =	shalt  }
0x47: {  	_ =	shalt  }
0x48: {  	_ =	shalt  }
0x49: {  	_ =	shalt  }
0x4a: {  	_ =	shalt  }
0x4b: {  	_ =	shalt  }
0x4c: {  	_ =	shalt  }
0x4d: {  	_ =	shalt  }
0x4e: {  	_ =	shalt  }
0x4f: {  	_ =	shalt  }
0x50: {  	_ =	shalt  }
0x51: {  	_ =	shalt  }
0x52: {  	_ =	shalt  }
0x53: {  	_ =	shalt  }
0x54: {  	_ =	shalt  }
0x55: {  	_ =	shalt  }
0x56: {  	_ =	shalt  }
0x57: {  	_ =	shalt  }
0x58: {  	_ =	shalt  }
0x59: {  	_ =	shalt  }
0x5a: {  	_ =	shalt  }
0x5b: {  	_ =	shalt  }
0x5c: {  	_ =	shalt  }
0x5d: {  	_ =	shalt  }
0x5e: {  	_ =	shalt  }
0x5f: {  	_ =	shalt  }
0x60: {  	_ =	shalt  }
0x61: {  	_ =	shalt  }
0x62: {  	_ =	shalt  }
0x63: {  	_ =	shalt  }
0x64: {  	_ =	shalt  }
0x65: {  	_ =	shalt  }
0x66: {  	_ =	shalt  }
0x67: {  	_ =	shalt  }
0x68: {  	_ =	shalt  }
0x69: {  	_ =	shalt  }
0x6a: {  	_ =	shalt  }
0x6b: {  	_ =	shalt  }
0x6c: {  	_ =	shalt  }
0x6d: {  	_ =	shalt  }
0x6e: {  	_ =	shalt  }
0x6f: {  	_ =	shalt  }
0x70: {  	_ =	shalt  }
0x71: {  	_ =	shalt  }
0x72: {  	_ =	shalt  }
0x73: {  	_ =	shalt  }
0x74: {  	_ =	shalt  }
0x75: {  	_ =	shalt  }
0x76: {  	_ =	shalt  }
0x77: {  	_ =	shalt  }
0x78: {  	_ =	shalt  }
0x79: {  	_ =	shalt  }
0x7a: {  	_ =	shalt  }
0x7b: {  	_ =	shalt  }
0x7c: {  	_ =	shalt  }
0x7d: {  	_ =	shalt  }
0x7e: {  	_ =	shalt  }
0x7f: {  	_ =	shalt  }
0x80: {  	_ =	shalt  }
0x81: {  	_ =	shalt  }
0x82: {  	_ =	shalt  }
0x83: {  	_ =	shalt  }
0x84: {  	_ =	shalt  }
0x85: {  	_ =	shalt  }
0x86: {  	_ =	shalt  }
0x87: {  	_ =	shalt  }
.Lfunc_end0:
.L_simem_size_0:
called_computation_lowered:
.L_overlay_start_0:
0x88: {  	s2 =	sld [smem:$0x3FD9]  }
0x89: {  	s3 =	sld [smem:$0x3FFE];
	_ =	sdelay $0x1  }
0x8a: {  	s1 =	srdreg.scid  }
0x8b: {  	s0 =	sand.u32 $0x1, s1  }
0x8c: {  	s16 =	sshll.u32 s0, $0xA;
	s2 =	sadd.s32 s3, s2  }
0x8d: {  	s2 =	sadd.s32 s2, s16  }
0x8e: {  	[smem:$0x3FC6] =	sst s2  }
0x8f: {  	_ = 	snop  }
0x90: {  	(tm) =	ssettm $0x1  }
0x91: {  	s17 =	sld [smem:$0x3FFB];
	_ =	sdelay $0x3  }
0x92: {  	_ =	strace s17  }
0x93: {  	s2 =	sld [smem:$0x3FFC];
	_ =	sdelay $0x3  }
0x94: {  	_ =	strace s2  }
0x95: {  	s2 =	sld [smem:$0x3FFD];
	_ =	sdelay $0x3  }
0x96: {  	_ =	strace s2  }
0x97: {  	_ =	strace $0x8FFFFFFF  }
0x98: {  	s18 =	sld [smem:$0x3FDB];
	_ =	sdelay $0x1  }
0x99: {  	s19 =	simm.s32 $_scs_section_size  }
0x9a: {  	s4 =	simm.s32 $_size__tile_overlayer_lowered;
	s5 =	simm.s32 $_tile_overlayer_lowered  }
0x9b: {  	s22 =	simm.s32 $0x1BFF;
	s21 =	sshll.u32 s5, $0x1;
	s2 =	sadd.s32 s19, s18  }
0x9c: {  	s6 =	simm.s32 $0x0;
	s20 =	sshll.u32 s4, $0x1;
	s4 =	sadd.s32 s21, s2  }
0x9d: {  	[timem:s6], [sflag:s22] =	dma.local [hbm:s4], s20  }
0x9e: {  	_ =	swait.ge [sflag:s22], s20  }
0x9f: {  	s3 =	ssub.s32 $0x0, s20;
	[sflag:s22] =	ssyncset.done $0x0  }
0xa0: {  	[sflag:s22] =	ssyncadd.s32 s3;
	_ =	sdelay $0x1  }
0xa1: {  	s23 =	simm.s32 $0x1B8B  }
0xa2: {  	_ =	swait.ge [sflag:s23], $0x1  }
0xa3: {  	[sflag:s23] =	ssyncset.done $0x0  }
0xa4: {  	s25 =	simm.s32 $0x1B8E;
	s24 =	sld [smem:$0x3FFE];
	[sflag:s23] =	ssyncadd.s32 $0xFFFFFFFF  }
0xa5: {  	s26 =	simm.s32 $execute0_lowered;
	[smem:$0x3FD2] =	sst s25  }
0xa6: {  	s4 =	sshll.u32 s26, $0x1;
	_ =	strace $0x80000046;
	[dreg:$0x1] =	wrdreg $0xFFFFFFFF  }
0xa7: {  	s28 =	simm.s32 $_size_execute0_lowered;
	s2 =	sadd.s32 s2, s4;
	[dreg:$0x0] =	wrdreg $0x0  }
0xa8: {  	s4 =	sshll.u32 s28, $0x1;
	[dreg:$0x2] =	wrdreg s2  }
0xa9: {  	[dreg:$0x3] =	wrdreg s4  }
0xaa: {  	[dreg:$0x4] =	wrdreg $0xC0  }
0xab: {  	_ =	task [dreg:s6], $0x5FFFF  }
0xac: {  	[dreg:$0x1] =	wrdreg $0xFFFFFFFF  }
0xad: {  	[dreg:$0x0] =	wrdreg $0x60  }
0xae: {  	[dreg:$0x2] =	wrdreg s24  }
0xaf: {  	[dreg:$0x3] =	wrdreg $0x9  }
0xb0: {  	_ =	task.clear_ibuf [dreg:s6], $0x4FFFF;
	_ =	strace $0x90000046  }
0xb1: {  	s29 =	simm.s32 $0x9;
	_ =	strace $0x80000048  }
0xb2: {  	_ =	swait.ge [sflag:s29], $0x1  }
0xb3: {  	[sflag:s29] =	ssyncadd.s32 $0xFFFFFFFF  }
0xb4: {  	_ =	strace $0x90000048  }
0xb5: {  	_ =	sfence  }
0xb6: {  	s30 =	sld [smem:$0x0];
	_ =	sdelay $0x2  }
0xb7: {  	s31 =	sshll.u32 s1, $0xD;
	s1 =	sshrl.u32 s1, $0x2  }
0xb8: {  	s3 =	sand.u32 $0x4000, s31;
	s1 =	sadd.s32 s1, s30  }
0xb9: {  	s0 =	sor.u32 s3, s0;
	s1 =	sshll.u32 s1, $0x11  }
0xba: {  	s0 =	sor.u32 s1, s0  }
0xbb: {  	s0 =	sadd.s32 $0x8F2B, s0  }
0xbc: {  	[sflag:s0] =	ssyncadd.remote.s32 $0x1  }
0xbd: {  	_ =	sfence.sel $0xFFFF  }
0xbe: {  	[dreg:$0x0] =	wrdreg $0xFFFFFFFF;
	(pc) =	sbr.abs _section_cstart, $3  }
0xbf: {  	[dreg:$0x1] =	wrdreg $0xFFFFFFFF  }
0xc0: {  	_ =	task.clear_ibuf [dreg:s6], $0x2FFFF;
	_ =	strace $0x9FFFFFFF  }
0xc1: {  	(tm) =	ssettm $0x7FFFFFFF  }
tec
execute0_lowered:
.L_overlay_start_1:
0x0: {  	(tag) =	ssettag $0x1  }
0x1: {  	s7 =	rddreg [dreg:$0x0]  }
0x2: {  	s0 =	rddreg [dreg:$0x1]  }
0x3: {  	s2 =	simm.s32 $0x0;
	s1 =	stileid.u32;
	s3 =	srdreg.scid  }
0x4: {  	s16 =	simm.s32 $0x100;
	s17 =	simm.s32 $0x1180;
	s18 =	simm.s32 $0x1980  }
0x5: {  	s19 =	simm.s32 $0x2180;
	[smem:$0x7FF] =	sst s2;
	s4 =	sshll.u32 s1, $0x1  }
0x6: {  	s5 =	sshrl.u32 s1, $0x3;
	s3 =	sand.u32 $0x1, s3;
	s9 =	sadd.s32 $0x600, s7  }
0x7: {  	_ =	strace $0x80000047;
	s4 =	sand.u32 $0xE, s4;
	s6 =	sshll.u32 s5, $0x8  }
0x8: {  	s20 =	smul.u32 $0x1800, s5;
	s5 =	sshll.u32 s5, $0xC;
	s8 =	sor.u32 s3, s4  }
0x9: {  	s10 =	sadd.s32 s6, s7;
	s3 =	ssub.s32 $0x2, s3;
	s12 =	sadd.s32 s5, s7  }
0xa: {  	s21 =	sshll.u32 s8, $0x7;
	s22 =	sshrl.u32 s3, $0x1;
	s23 =	sadd.s32 $0x800, s20  }
0xb: {  	s24 =	sshrl.u32 s20, $0x3;
	s15 =	sadd.s32 $0x1000, s20;
	s28 =	sshll.u32 s8, $0x4  }
0xc: {  	s30 =	sshll.u32 s8, $0x8;
	s11 =	sor.u32 s20, s21;
	s13 =	ssub.s32 s3, s22  }
0xd: {  	s14 =	sor.u32 s23, s21;
	s4 =	sadd.s32 s9, s24;
	s6 =	sor.u32 s15, s21  }
0xe: {  	s29 =	sshrl.u32 s15, $0x3;
	s10 =	sadd.s32 s28, s10;
	s31 =	sadd.s32 s30, s12  }
0xf: {  	s12 =	simm.s32 $0x1;
	s15 =	simm.s32 $0x980;
	s20 =	simm.s32 $0x2200  }
0x10: {  	s21 =	simm.s32 $0x0;
	s11 =	sshrl.u32 s11, $0x3;
	s25 =	sshrl.u32 s14, $0x3  }
0x11: {  	s26 =	sshrl.u32 s6, $0x3;
	s8 =	sadd.s32 s9, s29;
	s14 =	simm.s32 $0x80  }
0x12: {  	v1 =	vlaneseq.u32;
	s3 =	sadd.s32 s7, s11;
	s5 =	sadd.s32 s7, s25;
	s11 =	sshrl.u32 s23, $0x3  }
0x13: {  	v1 =	vmul.u32 $0x10, v1;
	s7 =	sadd.s32 s7, s26;
	s6 =	sadd.s32 s9, s11;
	s9 =	sadd.s32 $0x2C00, s10  }
0x14: {  	v0 =	vimm.f32 $+Inf;
	s10 =	sadd.s32 $0xC00, s31;
	s11 =	smax.u32 s13, $0x1;
	s13 =	simm.s32 $0x180  }
.LBB2_1:
0x15: {  	[tilespmem:s2], [sflag:$0x1] =	stream.linear.gather [hbm4b:s3+s2], $0x80, $0x38;
	[tilespmem:$0x2A00] =	vst v63  }
0x16: {  	_ =	swait.ge [sflag:s12], $0x80  }
0x17: {  	[sflag:s12] =	ssyncset.done $0x0  }
0x18: {  	[sflag:s12] =	ssyncadd.s32 $0xFFFFFF80  }
0x19: {  	[tilespmem:s13], [sflag:$0x1] =	stream.linear.gather [hbm4b:s4+s2], $0x800, $0x38;
	[tilespmem:$0x2A00] =	vst v63  }
0x1a: {  	_ =	swait.ge [sflag:s12], $0x800  }
0x1b: {  	[sflag:s12] =	ssyncset.done $0x0  }
0x1c: {  	[sflag:s12] =	ssyncadd.s32 $0xFFFFF800  }
0x1d: {  	[tilespmem:s14], [sflag:$0x1] =	stream.linear.gather [hbm4b:s5+s2], $0x80, $0x38;
	[tilespmem:$0x2A00] =	vst v63  }
0x1e: {  	_ =	swait.ge [sflag:s12], $0x80  }
0x1f: {  	[sflag:s12] =	ssyncset.done $0x0  }
0x20: {  	[sflag:s12] =	ssyncadd.s32 $0xFFFFFF80  }
0x21: {  	[tilespmem:s15], [sflag:$0x1] =	stream.linear.gather [hbm4b:s6+s2], $0x800, $0x38;
	[tilespmem:$0x2A00] =	vst v63  }
0x22: {  	_ =	swait.ge [sflag:s12], $0x800  }
0x23: {  	[sflag:s12] =	ssyncset.done $0x0  }
0x24: {  	[sflag:s12] =	ssyncadd.s32 $0xFFFFF800  }
0x25: {  	[tilespmem:s16], [sflag:$0x1] =	stream.linear.gather [hbm4b:s7+s2], $0x80, $0x38;
	[tilespmem:$0x2A00] =	vst v63  }
0x26: {  	_ =	swait.ge [sflag:s12], $0x80  }
0x27: {  	[sflag:s12] =	ssyncset.done $0x0  }
0x28: {  	[sflag:s12] =	ssyncadd.s32 $0xFFFFFF80  }
0x29: {  	[tilespmem:s17], [sflag:$0x1] =	stream.linear.gather [hbm4b:s8+s2], $0x800, $0x38;
	[tilespmem:$0x2A00] =	vst v63  }
0x2a: {  	_ =	swait.ge [sflag:s12], $0x800  }
0x2b: {  	[sflag:s12] =	ssyncset.done $0x0  }
0x2c: {  	s22 =	simm.s32 $0x40;
	s23 =	simm.s32 $0x0;
	[sflag:s12] =	ssyncadd.s32 $0xFFFFF800  }
.LBB2_2:
0x2d: {  	p0 =	sne.s32 s22, $0x1FC0;
	[tilespmem:s23+$0x2200] =	vst v0;
	s23 =	smov.u32 s22;
	s22 =	sadd.s32 $0x40, s22  }
.Ltmp0:
0x2e: {  	(pc) =	sbr.rel @p0 .LBB2_2-.Ltmp0, $2  }
0x2f: {  	_ =	sdelay $0x2  }
0x30: {  	s23 =	sshra.s32 s23, $0x2  }
0x31: {  	[tilespmem:s23+$0x2200] =	vst v0;
	s22 =	simm.s32 $0x0;
	s23 =	simm.s32 $0x0  }
.LBB2_4:
0x32: {  	s24 =	sshll.u32 s23, $0x3  }
0x33: {  	v2 =	vmov s24;
	s25 =	sor.u32 $0x80, s24  }
0x34: {  	s30 =	sor.u32 $0x100, s24;
	v2 =	vbroadcast v2, $0x0;
	v3 =	vmov s25  }
0x35: {  	s26 =	sor.u32 $0x81, s24;
	v4 =	vmov s30;
	v3 =	vbroadcast v3, $0x0  }
0x36: {  	s29 =	sor.u32 $0x101, s24;
	v6 =	vmov s26;
	v4 =	vbroadcast v4, $0x0  }
0x37: {  	s31 =	sor.u32 $0x1, s24;
	s30 =	sor.u32 $0x2, s24;
	s25 =	sand.u32 $0x7F0, s22;
	v7 =	vbroadcast v6, $0x0;
	v6 =	vmov s29  }
0x38: {  	v5 =	vmov s31;
	s31 =	sor.u32 $0x102, s24;
	v22 =	vld [tilespmem:s25+$0x1180];
	v8 =	vbroadcast v6, $0x0;
	v6 =	vmov s30  }
0x39: {  	s26 =	sor.u32 $0x3, s24;
	v37 =	vld [tilespmem:s25+$0x980];
	v9 =	vbroadcast v6, $0x0;
	v6 =	vmov s31  }
0x3a: {  	v11 =	vmov s26;
	s30 =	sor.u32 $0x106, s24;
	v10 =	vbroadcast v6, $0x0;
	v2 =	vld.idx.msk [tilespmem:v2+s22+$0x0], $0xffff  }
0x3b: {  	s29 =	sor.u32 $0x104, s24;
	v11 =	vbroadcast v11, $0x0;
	v13 =	vmov s30;
	s30 =	sor.u32 $0x6, s24;
	v3 =	vld.idx.msk [tilespmem:v3+s22+$0x0], $0xffff  }
0x3c: {  	v18 =	vmov s30;
	v6 =	vld.idx.msk [tilespmem:v4+s22+$0x0], $0xffff;
	v4 =	vmov s29  }
0x3d: {  	v20 =	vbroadcast v18, $0x0;
	v12 =	vbroadcast v4, $0x0;
	v4 =	vld.idx.msk [tilespmem:v7+s22+$0x0], $0xffff  }
0x3e: {  	s29 =	sor.u32 $0x5, s24;
	v8 =	vld.idx.msk [tilespmem:v8+s22+$0x0], $0xffff  }
0x3f: {  	s26 =	sor.u32 $0x107, s24;
	s31 =	sor.u32 $0x105, s24;
	v13 =	vbroadcast v13, $0x0;
	v17 =	vmov s29;
	s29 =	sor.u32 $0x82, s24;
	v7 =	vld.idx.msk [tilespmem:v9+s22+$0x0], $0xffff  }
0x40: {  	v14 =	vmov s26;
	s30 =	sor.u32 $0x83, s24;
	v9 =	vmov s31;
	v18 =	vmov s29;
	v10 =	vld.idx.msk [tilespmem:v10+s22+$0x0], $0xffff  }
0x41: {  	s28 =	sor.u32 $0x103, s24;
	s31 =	sshllo.u32 s23, $0x3;
	v16 =	vbroadcast v9, $0x0;
	v9 =	vld.idx.msk [tilespmem:v11+s22+$0x0], $0xffff;
	v23 =	vbroadcast v18, $0x0;
	v18 =	vmov s30;
	s30 =	simm.s32 $0x180  }
0x42: {  	v15 =	vmov s28;
	v19 =	vmov s31;
	v27 =	vld [tilespmem:s30+$0x0]  }
0x43: {  	v15 =	vbroadcast v15, $0x0;
	v20 =	vld.idx.msk [tilespmem:v20+s22+$0x0], $0xffff  }
0x44: {  	v17 =	vbroadcast v17, $0x0;
	v11 =	vld.idx.msk [tilespmem:v12+s22+$0x0], $0xffff  }
0x45: {  	s28 =	sor.u32 $0x4, s24;
	v12 =	vld.idx.msk [tilespmem:v13+s22+$0x0], $0xffff  }
0x46: {  	v5 =	vbroadcast v5, $0x0;
	s31 =	sor.u32 $0x84, s24;
	v13 =	vld.idx.msk [tilespmem:v14+s22+$0x0], $0xffff;
	v14 =	vmov s28  }
0x47: {  	v24 =	vmov s31;
	v35 =	vsub.f32 v6, v22;
	v21 =	vbroadcast v14, $0x0;
	v19 =	vld.idx.msk [tilespmem:v19+s22+$0x0], $0xffff  }
0x48: {  	s29 =	sor.u32 $0x85, s24;
	v26 =	vbroadcast v24, $0x0;
	v43 =	vsub.f32 v3, v37;
	v45 =	vsub.f32 v4, v37;
	s28 =	sor.u32 $0x86, s24;
	s24 =	sor.u32 $0x87, s24;
	v14 =	vld.idx.msk [tilespmem:v16+s22+$0x0], $0xffff  }
0x49: {  	v24 =	vmov s28;
	v25 =	vmov s24;
	v33 =	vsub.f32 v10, v22;
	v16 =	vld.idx.msk [tilespmem:v15+s22+$0x0], $0xffff  }
0x4a: {  	v15 =	vbroadcast v18, $0x0;
	v18 =	vld.idx.msk [tilespmem:v17+s22+$0x0], $0xffff;
	v17 =	vmov s29;
	v24 =	vbroadcast v24, $0x0  }
0x4b: {  	v40 =	vsub.f32 v9, v27;
	v32 =	vbroadcast v17, $0x0;
	v17 =	vld.idx.msk [tilespmem:v23+s22+$0x0], $0xffff;
	v23 =	vsub.f32 v8, v22  }
0x4c: {  	v5 =	vld.idx.msk [tilespmem:v5+s22+$0x0], $0xffff;
	v35 =	vmul.f32 v35, v35;
	v28 =	vsub.f32 v12, v22;
	v29 =	vsub.f32 v13, v22  }
0x4d: {  	v30 =	vsub.f32 v11, v22;
	v38 =	vmul.f32 v23, v23;
	v23 =	vsub.f32 v20, v27;
	v21 =	vld.idx.msk [tilespmem:v21+s22+$0x0], $0xffff  }
0x4e: {  	v43 =	vmul.f32 v43, v43;
	v31 =	vsub.f32 v14, v22;
	v34 =	vsub.f32 v16, v22;
	v22 =	vld.idx.msk [tilespmem:v25+s22+$0x0], $0xffff  }
0x4f: {  	v45 =	vmul.f32 v45, v45;
	v60 =	vsub.f32 v7, v27;
	v42 =	vmul.f32 v23, v23;
	v23 =	vld.idx.msk [tilespmem:v26+s22+$0x0], $0xffff  }
0x50: {  	v33 =	vmul.f32 v33, v33;
	v40 =	vmul.f32 v40, v40;
	v36 =	vsub.f32 v19, v27;
	v15 =	vld.idx.msk [tilespmem:v15+s22+$0x0], $0xffff  }
0x51: {  	v28 =	vmul.f32 v28, v28;
	v29 =	vmul.f32 v29, v29;
	v26 =	vsub.f32 v5, v27;
	v24 =	vld.idx.msk [tilespmem:v24+s22+$0x0], $0xffff  }
0x52: {  	v30 =	vmul.f32 v30, v30;
	v36 =	vmul.f32 v36, v36;
	v47 =	vsub.f32 v17, v37;
	v25 =	vld.idx.msk [tilespmem:v32+s22+$0x0], $0xffff  }
0x53: {  	v39 =	vsub.f32 v18, v27;
	v32 =	vmul.f32 v60, v60;
	v26 =	vmul.f32 v26, v26  }
0x54: {  	v61 =	vmul.f32 v47, v47;
	v41 =	vsub.f32 v21, v27;
	v27 =	vsub.f32 v2, v27  }
0x55: {  	v31 =	vmul.f32 v31, v31;
	v26 =	vadd.f32 v45, v26;
	v44 =	vsub.f32 v22, v37  }
0x56: {  	s24 =	simm.s32 $0x2200;
	v32 =	vadd.f32 v61, v32;
	v46 =	vsub.f32 v24, v37;
	v27 =	vmul.f32 v27, v27  }
0x57: {  	v49 =	vld [tilespmem:s24+$0x0];
	v34 =	vmul.f32 v34, v34;
	v50 =	vsub.f32 v15, v37;
	v48 =	vsub.f32 v25, v37  }
0x58: {  	v39 =	vmul.f32 v39, v39;
	v37 =	vsub.f32 v23, v37;
	v27 =	vadd.f32 v43, v27  }
0x59: {  	v26 =	vadd.f32 v38, v26;
	v41 =	vmul.f32 v41, v41;
	v62 =	vmul.f32 v50, v50  }
0x5a: {  	v44 =	vmul.f32 v44, v44;
	v63 =	vmul.f32 v37, v37;
	v27 =	vadd.f32 v35, v27  }
0x5b: {  	v46 =	vmul.f32 v46, v46;
	v48 =	vmul.f32 v48, v48;
	v47 =	vadd.f32 v62, v40  }
0x5c: {  	v43 =	vadd.f32 v33, v32;
	v50 =	vadd.f32 v63, v41;
	v49 =	vmin.f32 v49, v27  }
0x5d: {  	v52 =	vadd.f32 v48, v39;
	v34 =	vadd.f32 v34, v47;
	v51 =	vmin.f32 v49, v26  }
0x5e: {  	v53 =	vadd.f32 v46, v42;
	v30 =	vadd.f32 v30, v50;
	v33 =	vmin.f32 v51, v43  }
0x5f: {  	v54 =	vadd.f32 v44, v36;
	v31 =	vadd.f32 v31, v52;
	v33 =	vmin.f32 v33, v34  }
0x60: {  	v55 =	vadd.f32 v28, v53;
	v33 =	vmin.f32 v33, v30  }
0x61: {  	v35 =	vadd.f32 v29, v54;
	v28 =	vmin.f32 v33, v31  }
0x62: {  	v28 =	vmin.f32 v28, v55  }
0x63: {  	s31 =	simm.s32 $0x10;
	v28 =	vmin.f32 v28, v35  }
0x64: {  	s28 =	sand.u32 $0x7F0, s31;
	[tilespmem:s24+$0x0] =	vst v28  }
0x65: {  	v56 =	vld [tilespmem:s28+$0x1180];
	_ =	sdelay $0x1  }
0x66: {  	v57 =	vimm.f32 $+Inf  }
0x67: {  	v32 =	vmin.f32 v57, v26;
	v29 =	vmin.f32 v57, v43  }
0x68: {  	s25 =	simm.s32 $0x190;
	v26 =	vmin.f32 v57, v30;
	v30 =	vmin.f32 v57, v55;
	v33 =	vmin.f32 v57, v27  }
0x69: {  	v27 =	vmin.f32 v57, v31;
	v40 =	vld [tilespmem:s25+$0x0];
	v58 =	vsub.f32 v12, v56;
	v59 =	vsub.f32 v13, v56  }
0x6a: {  	v31 =	vmin.f32 v57, v35;
	v60 =	vsub.f32 v11, v56;
	v61 =	vsub.f32 v14, v56  }
0x6b: {  	v28 =	vmin.f32 v57, v34;
	v62 =	vsub.f32 v10, v56;
	v63 =	vsub.f32 v16, v56  }
0x6c: {  	v41 =	vsub.f32 v8, v56;
	v35 =	vmul.f32 v58, v58;
	v34 =	vmul.f32 v59, v59  }
0x6d: {  	v42 =	vsub.f32 v6, v56;
	v37 =	vmul.f32 v60, v60;
	v36 =	vmul.f32 v61, v61  }
0x6e: {  	s26 =	simm.s32 $0x20;
	v43 =	vsub.f32 v19, v40;
	v39 =	vmul.f32 v62, v62;
	v38 =	vmul.f32 v63, v63  }
.LBB2_5:
0x6f: {  	p0 =	sne.s32 s26, $0x7F0;
	v44 =	vld [tilespmem:s28+$0x980];
	v41 =	vmul.f32 v41, v41;
	v45 =	vsub.f32 v18, v40;
	v46 =	vsub.f32 v20, v40  }
0x70: {  	v42 =	vmul.f32 v42, v42;
	v47 =	vsub.f32 v9, v40;
	v48 =	vsub.f32 v21, v40  }
0x71: {  	v49 =	vsub.f32 v7, v40;
	v43 =	vmul.f32 v43, v43;
	v46 =	vmul.f32 v46, v46  }
0x72: {  	v50 =	vsub.f32 v5, v40;
	v48 =	vmul.f32 v48, v48;
	v45 =	vmul.f32 v45, v45  }
0x73: {  	v40 =	vsub.f32 v2, v40;
	v49 =	vmul.f32 v49, v49;
	v47 =	vmul.f32 v47, v47  }
0x74: {  	v50 =	vmul.f32 v50, v50;
	v51 =	vsub.f32 v3, v44;
	v52 =	vsub.f32 v22, v44  }
0x75: {  	v40 =	vmul.f32 v40, v40;
	v53 =	vsub.f32 v4, v44;
	v54 =	vsub.f32 v24, v44  }
0x76: {  	s24 =	sadd.s32 $0x10, s24;
	v55 =	vsub.f32 v17, v44;
	v56 =	vsub.f32 v25, v44;
	v51 =	vmul.f32 v51, v51  }
0x77: {  	v58 =	vsub.f32 v15, v44;
	v44 =	vsub.f32 v23, v44;
	v53 =	vmul.f32 v53, v53;
	v57 =	vld [tilespmem:s24+$0x0]  }
0x78: {  	v52 =	vmul.f32 v52, v52;
	v40 =	vadd.f32 v51, v40;
	v51 =	vmul.f32 v55, v55  }
0x79: {  	v54 =	vmul.f32 v54, v54;
	v50 =	vadd.f32 v53, v50;
	v53 =	vmul.f32 v58, v58  }
0x7a: {  	v44 =	vmul.f32 v44, v44;
	v40 =	vadd.f32 v42, v40;
	v42 =	vadd.f32 v51, v49  }
0x7b: {  	v41 =	vadd.f32 v41, v50;
	v47 =	vadd.f32 v53, v47;
	v49 =	vmul.f32 v56, v56  }
0x7c: {  	v50 =	vmin.f32 v57, v40;
	v39 =	vadd.f32 v39, v42;
	v42 =	vadd.f32 v44, v48  }
0x7d: {  	v38 =	vadd.f32 v38, v47;
	v45 =	vadd.f32 v49, v45;
	v44 =	vmin.f32 v50, v41  }
0x7e: {  	v44 =	vmin.f32 v44, v39;
	v37 =	vadd.f32 v37, v42;
	v42 =	vadd.f32 v54, v46  }
0x7f: {  	v43 =	vadd.f32 v52, v43;
	v36 =	vadd.f32 v36, v45;
	v44 =	vmin.f32 v44, v38  }
0x80: {  	v33 =	vmin.f32 v33, v40;
	v40 =	vmin.f32 v44, v37;
	v35 =	vadd.f32 v35, v42  }
0x81: {  	v34 =	vadd.f32 v34, v43;
	v32 =	vmin.f32 v32, v41;
	v40 =	vmin.f32 v40, v36  }
0x82: {  	v29 =	vmin.f32 v29, v39;
	v28 =	vmin.f32 v28, v38;
	v38 =	vmin.f32 v40, v35  }
0x83: {  	v26 =	vmin.f32 v26, v37;
	v27 =	vmin.f32 v27, v36;
	v36 =	vmin.f32 v38, v34  }
0x84: {  	s28 =	sand.u32 $0x7F0, s26;
	v31 =	vmin.f32 v31, v34;
	v30 =	vmin.f32 v30, v35;
	[tilespmem:s24+$0x0] =	vst v36  }
0x85: {  	v36 =	vld [tilespmem:s28+$0x1180];
	_ =	sdelay $0x3  }
0x86: {  	s25 =	sadd.s32 $0x10, s25  }
0x87: {  	v40 =	vld [tilespmem:s25+$0x0];
	v34 =	vsub.f32 v12, v36;
	v37 =	vsub.f32 v13, v36  }
.Ltmp1:
0x88: {  	v38 =	vsub.f32 v11, v36;
	v39 =	vsub.f32 v14, v36;
	(pc) =	sbr.rel @p0 .LBB2_5-.Ltmp1, $4  }
0x89: {  	v43 =	vsub.f32 v10, v36;
	v44 =	vsub.f32 v16, v36  }
0x8a: {  	v41 =	vsub.f32 v8, v36;
	v35 =	vmul.f32 v34, v34;
	v34 =	vmul.f32 v37, v37  }
0x8b: {  	v42 =	vsub.f32 v6, v36;
	v37 =	vmul.f32 v38, v38;
	v36 =	vmul.f32 v39, v39  }
0x8c: {  	s26 =	sadd.s32 $0x10, s26;
	v39 =	vmul.f32 v43, v43;
	v38 =	vmul.f32 v44, v44;
	v43 =	vsub.f32 v19, v40  }
0x8d: {  	v6 =	vld [tilespmem:s28+$0x980];
	v8 =	vmul.f32 v41, v41;
	v10 =	vsub.f32 v18, v40;
	v11 =	vsub.f32 v20, v40  }
0x8e: {  	v12 =	vmul.f32 v42, v42;
	v9 =	vsub.f32 v9, v40;
	v13 =	vsub.f32 v21, v40  }
0x8f: {  	v7 =	vsub.f32 v7, v40;
	v14 =	vmul.f32 v43, v43;
	v11 =	vmul.f32 v11, v11  }
0x90: {  	v5 =	vsub.f32 v5, v40;
	v13 =	vmul.f32 v13, v13;
	v10 =	vmul.f32 v10, v10  }
0x91: {  	v2 =	vsub.f32 v2, v40;
	v7 =	vmul.f32 v7, v7;
	v9 =	vmul.f32 v9, v9  }
0x92: {  	v5 =	vmul.f32 v5, v5;
	v3 =	vsub.f32 v3, v6;
	v16 =	vsub.f32 v22, v6  }
0x93: {  	v2 =	vmul.f32 v2, v2;
	v4 =	vsub.f32 v4, v6;
	v56 =	vsub.f32 v24, v6  }
0x94: {  	s24 =	sadd.s32 $0x10, s24;
	v17 =	vsub.f32 v17, v6;
	v19 =	vsub.f32 v25, v6;
	v3 =	vmul.f32 v3, v3  }
0x95: {  	v57 =	vld [tilespmem:s24+$0x0];
	v15 =	vsub.f32 v15, v6;
	v6 =	vsub.f32 v23, v6;
	v4 =	vmul.f32 v4, v4  }
0x96: {  	v16 =	vmul.f32 v16, v16;
	v2 =	vadd.f32 v3, v2;
	v3 =	vmul.f32 v17, v17  }
0x97: {  	v58 =	vmul.f32 v15, v15;
	v59 =	vmul.f32 v56, v56;
	v4 =	vadd.f32 v4, v5  }
0x98: {  	v6 =	vmul.f32 v6, v6;
	v2 =	vadd.f32 v12, v2;
	v3 =	vadd.f32 v3, v7  }
0x99: {  	v60 =	vmul.f32 v19, v19;
	v5 =	vadd.f32 v58, v9;
	v4 =	vadd.f32 v8, v4  }
0x9a: {  	v6 =	vadd.f32 v6, v13;
	v61 =	vmin.f32 v57, v2;
	v3 =	vadd.f32 v39, v3  }
0x9b: {  	v5 =	vadd.f32 v38, v5;
	v7 =	vadd.f32 v60, v10;
	v8 =	vmin.f32 v61, v4  }
0x9c: {  	v62 =	vadd.f32 v59, v11;
	v6 =	vadd.f32 v37, v6;
	v8 =	vmin.f32 v8, v3  }
0x9d: {  	v63 =	vadd.f32 v16, v14;
	v7 =	vadd.f32 v36, v7;
	v8 =	vmin.f32 v8, v5  }
0x9e: {  	v9 =	vadd.f32 v35, v62;
	v8 =	vmin.f32 v8, v6  }
0x9f: {  	v10 =	vadd.f32 v34, v63;
	v8 =	vmin.f32 v8, v7  }
0xa0: {  	v8 =	vmin.f32 v8, v9  }
0xa1: {  	s25 =	sshll.u32 s23, $0x7;
	v8 =	vmin.f32 v8, v10  }
0xa2: {  	s31 =	sand.u32 $0x3FFFFF80, s25;
	v2 =	vmin.f32 v33, v2;
	[tilespmem:s24+$0x0] =	vst v8  }
0xa3: {  	v4 =	vmin.f32 v32, v4;
	[tilespmem:s31+$0x1980] =	vst v2  }
0xa4: {  	s23 =	sadd.s32 $0x1, s23;
	v2 =	vmin.f32 v29, v3;
	[tilespmem:s31+$0x1990] =	vst v4  }
0xa5: {  	p0 =	sne.s32 s23, $0x10;
	v3 =	vmin.f32 v28, v5;
	[tilespmem:s31+$0x19A0] =	vst v2  }
.Ltmp2:
0xa6: {  	v2 =	vmin.f32 v26, v6;
	[tilespmem:s31+$0x19B0] =	vst v3;
	(pc) =	sbr.rel @p0 .LBB2_4-.Ltmp2, $4  }
0xa7: {  	v3 =	vmin.f32 v27, v7;
	[tilespmem:s31+$0x19C0] =	vst v2  }
0xa8: {  	v2 =	vmin.f32 v30, v9;
	[tilespmem:s31+$0x19D0] =	vst v3  }
0xa9: {  	v3 =	vmin.f32 v31, v10;
	[tilespmem:s31+$0x19E0] =	vst v2  }
0xaa: {  	[tilespmem:s31+$0x19F0] =	vst v3  }
0xab: {  	s22 =	simm.s32 $0x0  }
0xac: {  	v2 =	vmov s22  }
0xad: {  	v2 =	vshll.u32 v2, $0x4  }
0xae: {  	v2 =	vor.u32 v1, v2  }
0xaf: {  	v3 =	vor.u32 $0x1, v2  }
0xb0: {  	v4 =	vor.u32 $0x2, v2  }
0xb1: {  	v5 =	vor.u32 $0x3, v2  }
0xb2: {  	v6 =	vor.u32 $0x4, v2  }
0xb3: {  	v7 =	vor.u32 $0x5, v2;
	v8 =	vld.idx.msk [tilespmem:v2+s18+$0x0], $0xffff  }
0xb4: {  	v9 =	vor.u32 $0x6, v2;
	v3 =	vld.idx.msk [tilespmem:v3+s18+$0x0], $0xffff  }
0xb5: {  	v10 =	vor.u32 $0x7, v2;
	v4 =	vld.idx.msk [tilespmem:v4+s18+$0x0], $0xffff  }
0xb6: {  	v11 =	vor.u32 $0x8, v2;
	v5 =	vld.idx.msk [tilespmem:v5+s18+$0x0], $0xffff  }
0xb7: {  	v12 =	vor.u32 $0x9, v2;
	v6 =	vld.idx.msk [tilespmem:v6+s18+$0x0], $0xffff  }
0xb8: {  	v13 =	vor.u32 $0xA, v2;
	v7 =	vld.idx.msk [tilespmem:v7+s18+$0x0], $0xffff  }
0xb9: {  	v14 =	vor.u32 $0xB, v2;
	v9 =	vld.idx.msk [tilespmem:v9+s18+$0x0], $0xffff;
	v3 =	vmin.f32 v8, v3  }
0xba: {  	v8 =	vld.idx.msk [tilespmem:v10+s18+$0x0], $0xffff;
	v10 =	vor.u32 $0xC, v2;
	v3 =	vmin.f32 v3, v4  }
0xbb: {  	v4 =	vld.idx.msk [tilespmem:v11+s18+$0x0], $0xffff;
	v11 =	vor.u32 $0xD, v2;
	v3 =	vmin.f32 v3, v5  }
0xbc: {  	v60 =	vor.u32 $0xE, v2;
	v5 =	vld.idx.msk [tilespmem:v12+s18+$0x0], $0xffff;
	v3 =	vmin.f32 v3, v6  }
0xbd: {  	v2 =	vor.u32 $0xF, v2;
	v6 =	vld.idx.msk [tilespmem:v13+s18+$0x0], $0xffff;
	v3 =	vmin.f32 v3, v7  }
0xbe: {  	v7 =	vld.idx.msk [tilespmem:v14+s18+$0x0], $0xffff;
	v3 =	vmin.f32 v3, v9  }
0xbf: {  	v9 =	vld.idx.msk [tilespmem:v10+s18+$0x0], $0xffff;
	v3 =	vmin.f32 v3, v8  }
0xc0: {  	s31 =	simm.s32 $0x10;
	v8 =	vld.idx.msk [tilespmem:v11+s18+$0x0], $0xffff;
	v3 =	vmin.f32 v3, v4  }
0xc1: {  	v10 =	vmov s31;
	v4 =	vld.idx.msk [tilespmem:v60+s18+$0x0], $0xffff;
	v3 =	vmin.f32 v3, v5  }
0xc2: {  	v2 =	vld.idx.msk [tilespmem:v2+s18+$0x0], $0xffff;
	v5 =	vshll.u32 v10, $0x4;
	v3 =	vmin.f32 v3, v6  }
0xc3: {  	v5 =	vor.u32 v1, v5;
	v3 =	vmin.f32 v3, v7  }
0xc4: {  	v6 =	vor.u32 $0x1, v5;
	v3 =	vmin.f32 v3, v9  }
0xc5: {  	v3 =	vmin.f32 v3, v8  }
0xc6: {  	v7 =	vor.u32 $0x2, v5;
	v3 =	vmin.f32 v3, v4  }
0xc7: {  	s22 =	simm.s32 $0x2180;
	v4 =	vor.u32 $0x3, v5;
	v2 =	vmin.f32 v3, v2  }
0xc8: {  	v3 =	vor.u32 $0x4, v5;
	[tilespmem:s22+$0x0] =	vst v2  }
0xc9: {  	v2 =	vld.idx.msk [tilespmem:v6+s18+$0x0], $0xffff;
	v6 =	vor.u32 $0x5, v5  }
0xca: {  	v9 =	vor.u32 $0x6, v5;
	v8 =	vld.idx.msk [tilespmem:v5+s18+$0x0], $0xffff  }
0xcb: {  	v10 =	vor.u32 $0x7, v5;
	v7 =	vld.idx.msk [tilespmem:v7+s18+$0x0], $0xffff  }
0xcc: {  	v11 =	vor.u32 $0x8, v5;
	v4 =	vld.idx.msk [tilespmem:v4+s18+$0x0], $0xffff  }
0xcd: {  	v61 =	vor.u32 $0x9, v5;
	v3 =	vld.idx.msk [tilespmem:v3+s18+$0x0], $0xffff  }
0xce: {  	v62 =	vor.u32 $0xA, v5;
	v6 =	vld.idx.msk [tilespmem:v6+s18+$0x0], $0xffff  }
0xcf: {  	v63 =	vor.u32 $0xB, v5;
	v9 =	vld.idx.msk [tilespmem:v9+s18+$0x0], $0xffff;
	v2 =	vmin.f32 v8, v2  }
0xd0: {  	v8 =	vld.idx.msk [tilespmem:v10+s18+$0x0], $0xffff;
	v10 =	vor.u32 $0xC, v5;
	v2 =	vmin.f32 v2, v7  }
0xd1: {  	v7 =	vld.idx.msk [tilespmem:v11+s18+$0x0], $0xffff;
	v11 =	vor.u32 $0xD, v5;
	v2 =	vmin.f32 v2, v4  }
0xd2: {  	v15 =	vor.u32 $0xE, v5;
	v12 =	vld.idx.msk [tilespmem:v61+s18+$0x0], $0xffff;
	v2 =	vmin.f32 v2, v3  }
0xd3: {  	v16 =	vor.u32 $0xF, v5;
	v13 =	vld.idx.msk [tilespmem:v62+s18+$0x0], $0xffff;
	v3 =	vmin.f32 v2, v6  }
0xd4: {  	v2 =	vld.idx.msk [tilespmem:v63+s18+$0x0], $0xffff;
	v4 =	vmin.f32 v3, v9  }
0xd5: {  	v3 =	vld.idx.msk [tilespmem:v10+s18+$0x0], $0xffff;
	v5 =	vmin.f32 v4, v8  }
0xd6: {  	s23 =	simm.s32 $0x20;
	v4 =	vld.idx.msk [tilespmem:v11+s18+$0x0], $0xffff;
	v6 =	vmin.f32 v5, v7  }
0xd7: {  	v5 =	vld.idx.msk [tilespmem:v15+s18+$0x0], $0xffff;
	v7 =	vmov s23;
	v8 =	vmin.f32 v6, v12  }
0xd8: {  	s23 =	simm.s32 $0x30;
	v6 =	vld.idx.msk [tilespmem:v16+s18+$0x0], $0xffff;
	v7 =	vshll.u32 v7, $0x4;
	v8 =	vmin.f32 v8, v13  }
.LBB2_8:
0xd9: {  	p0 =	sne.s32 s23, $0x70;
	v7 =	vor.u32 v1, v7;
	v2 =	vmin.f32 v8, v2  }
0xda: {  	v8 =	vor.u32 $0x1, v7;
	v2 =	vmin.f32 v2, v3  }
0xdb: {  	v2 =	vmin.f32 v2, v4  }
0xdc: {  	v3 =	vor.u32 $0x2, v7;
	v2 =	vmin.f32 v2, v5  }
0xdd: {  	s22 =	sadd.s32 $0x10, s22;
	v4 =	vor.u32 $0x3, v7;
	v2 =	vmin.f32 v2, v6  }
0xde: {  	v5 =	vor.u32 $0x4, v7;
	[tilespmem:s22+$0x0] =	vst v2  }
0xdf: {  	v6 =	vor.u32 $0x5, v7;
	v2 =	vld.idx.msk [tilespmem:v8+s18+$0x0], $0xffff  }
0xe0: {  	v9 =	vor.u32 $0x6, v7;
	v8 =	vld.idx.msk [tilespmem:v7+s18+$0x0], $0xffff  }
0xe1: {  	v10 =	vor.u32 $0x7, v7;
	v3 =	vld.idx.msk [tilespmem:v3+s18+$0x0], $0xffff  }
0xe2: {  	v11 =	vor.u32 $0x8, v7;
	v4 =	vld.idx.msk [tilespmem:v4+s18+$0x0], $0xffff  }
0xe3: {  	v12 =	vor.u32 $0x9, v7;
	v5 =	vld.idx.msk [tilespmem:v5+s18+$0x0], $0xffff  }
0xe4: {  	v13 =	vor.u32 $0xA, v7;
	v6 =	vld.idx.msk [tilespmem:v6+s18+$0x0], $0xffff  }
0xe5: {  	v14 =	vor.u32 $0xB, v7;
	v9 =	vld.idx.msk [tilespmem:v9+s18+$0x0], $0xffff  }
0xe6: {  	v2 =	vmin.f32 v8, v2;
	v8 =	vld.idx.msk [tilespmem:v10+s18+$0x0], $0xffff;
	v10 =	vor.u32 $0xC, v7  }
0xe7: {  	v15 =	vor.u32 $0xD, v7;
	v2 =	vmin.f32 v2, v3;
	v11 =	vld.idx.msk [tilespmem:v11+s18+$0x0], $0xffff  }
0xe8: {  	v16 =	vor.u32 $0xE, v7;
	v2 =	vmin.f32 v2, v4;
	v12 =	vld.idx.msk [tilespmem:v12+s18+$0x0], $0xffff  }
0xe9: {  	v7 =	vor.u32 $0xF, v7;
	v2 =	vmin.f32 v2, v5;
	v13 =	vld.idx.msk [tilespmem:v13+s18+$0x0], $0xffff  }
0xea: {  	v3 =	vmin.f32 v2, v6;
	v2 =	vld.idx.msk [tilespmem:v14+s18+$0x0], $0xffff  }
.Ltmp3:
0xeb: {  	v4 =	vmin.f32 v3, v9;
	v3 =	vld.idx.msk [tilespmem:v10+s18+$0x0], $0xffff;
	(pc) =	sbr.rel @p0 .LBB2_8-.Ltmp3, $4  }
0xec: {  	v5 =	vmin.f32 v4, v8;
	v4 =	vld.idx.msk [tilespmem:v15+s18+$0x0], $0xffff  }
0xed: {  	v6 =	vmin.f32 v5, v11;
	v5 =	vld.idx.msk [tilespmem:v16+s18+$0x0], $0xffff  }
0xee: {  	v8 =	vmov s23;
	v9 =	vmin.f32 v6, v12;
	v6 =	vld.idx.msk [tilespmem:v7+s18+$0x0], $0xffff  }
0xef: {  	s23 =	sadd.s32 $0x10, s23;
	v7 =	vshll.u32 v8, $0x4;
	v8 =	vmin.f32 v9, v13  }
0xf0: {  	v7 =	vor.u32 v1, v7;
	v2 =	vmin.f32 v8, v2  }
0xf1: {  	v49 =	vor.u32 $0x1, v7;
	v2 =	vmin.f32 v2, v3  }
0xf2: {  	v2 =	vmin.f32 v2, v4  }
0xf3: {  	v3 =	vor.u32 $0x2, v7;
	v2 =	vmin.f32 v2, v5  }
0xf4: {  	s22 =	sadd.s32 $0x10, s22;
	v50 =	vor.u32 $0x3, v7;
	v2 =	vmin.f32 v2, v6  }
0xf5: {  	v51 =	vor.u32 $0x4, v7;
	[tilespmem:s22+$0x0] =	vst v2  }
0xf6: {  	v52 =	vor.u32 $0x5, v7;
	v2 =	vld.idx.msk [tilespmem:v49+s18+$0x0], $0xffff  }
0xf7: {  	v9 =	vor.u32 $0x6, v7;
	v53 =	vld.idx.msk [tilespmem:v7+s18+$0x0], $0xffff  }
0xf8: {  	v10 =	vor.u32 $0x7, v7;
	v3 =	vld.idx.msk [tilespmem:v3+s18+$0x0], $0xffff  }
0xf9: {  	v11 =	vor.u32 $0x8, v7;
	v4 =	vld.idx.msk [tilespmem:v50+s18+$0x0], $0xffff  }
0xfa: {  	v12 =	vor.u32 $0x9, v7;
	v5 =	vld.idx.msk [tilespmem:v51+s18+$0x0], $0xffff  }
0xfb: {  	v13 =	vor.u32 $0xA, v7;
	v6 =	vld.idx.msk [tilespmem:v52+s18+$0x0], $0xffff  }
0xfc: {  	v14 =	vor.u32 $0xB, v7;
	v9 =	vld.idx.msk [tilespmem:v9+s18+$0x0], $0xffff;
	v2 =	vmin.f32 v53, v2  }
0xfd: {  	v55 =	vor.u32 $0xC, v7;
	v54 =	vld.idx.msk [tilespmem:v10+s18+$0x0], $0xffff;
	v2 =	vmin.f32 v2, v3  }
0xfe: {  	v56 =	vor.u32 $0xD, v7;
	v3 =	vld.idx.msk [tilespmem:v11+s18+$0x0], $0xffff;
	v2 =	vmin.f32 v2, v4  }
0xff: {  	v58 =	vor.u32 $0xE, v7;
	v57 =	vld.idx.msk [tilespmem:v12+s18+$0x0], $0xffff;
	v2 =	vmin.f32 v2, v5  }
0x100: {  	v59 =	vld.idx.msk [tilespmem:v13+s18+$0x0], $0xffff;
	v7 =	vor.u32 $0xF, v7;
	v2 =	vmin.f32 v2, v6  }
0x101: {  	v60 =	vld.idx.msk [tilespmem:v14+s18+$0x0], $0xffff;
	v2 =	vmin.f32 v2, v9  }
0x102: {  	v61 =	vld.idx.msk [tilespmem:v55+s18+$0x0], $0xffff;
	v2 =	vmin.f32 v2, v54  }
0x103: {  	v62 =	vld.idx.msk [tilespmem:v56+s18+$0x0], $0xffff;
	v2 =	vmin.f32 v2, v3  }
0x104: {  	v3 =	vld.idx.msk [tilespmem:v58+s18+$0x0], $0xffff;
	v2 =	vmin.f32 v2, v57  }
0x105: {  	v63 =	vld.idx.msk [tilespmem:v7+s18+$0x0], $0xffff;
	v2 =	vmin.f32 v2, v59  }
0x106: {  	v2 =	vmin.f32 v2, v60  }
0x107: {  	v2 =	vmin.f32 v2, v61  }
0x108: {  	v2 =	vmin.f32 v2, v62  }
0x109: {  	v2 =	vmin.f32 v2, v3  }
0x10a: {  	s22 =	sadd.s32 $0x10, s22;
	v2 =	vmin.f32 v2, v63  }
0x10b: {  	[tilespmem:s22+$0x0] =	vst v2  }
0x10c: {  	[hbm4b:s9+s2] =	stream.linear.scatter [tilespmem:s19], [sflag:$0x1], $0x80, $0x38;
	[tilespmem:$0x2A00] =	vst v63  }
0x10d: {  	s21 =	sadd.s32 $0x1, s21;
	_ =	swait.ge [sflag:s12], $0x80  }
0x10e: {  	p0 =	sne.s32 s21, s11;
	[sflag:s12] =	ssyncset.done $0x0  }
.Ltmp4:
0x10f: {  	[sflag:s12] =	ssyncadd.s32 $0xFFFFFF80;
	(pc) =	sbr.rel @p0 .LBB2_1-.Ltmp4, $4  }
0x110: {  	[hbm4b:s10+s2] =	stream.linear.scatter [tilespmem:s20], [sflag:$0x1], $0x800, $0x38;
	[tilespmem:$0x2A00] =	vst v63  }
0x111: {  	_ =	swait.ge [sflag:s12], $0x800  }
0x112: {  	[sflag:s12] =	ssyncset.done $0x0  }
0x113: {  	[sflag:s12] =	ssyncadd.s32 $0xFFFFF800  }
0x114: {  	_ =	sfence.sel $0x180000  }
0x115: {  	[bflag:$0x0] =	sbarrier.arrive $0xFFFF  }
0x116: {  	p0 =	sne.s32 s1, $0x0;
	_ =	strace $0x90000047  }
0x117: {  	s0 =	sadd.s32 @!p0 $0x100000, s0;
	[bflag:$0x2] =	sbarrier.arrive $0xFFFF  }
0x118: {  	[sflag:s0] =	ssyncadd.tile.s32 @!p0 $0x1;
	_ =	shalt  }
.Lfunc_end2:
_tile_overlayer_lowered:
.L_overlay_start_2:
0x119: {  	(tag) =	ssettag $0x2  }
0x11a: {  	s0 =	rddreg [dreg:$0x0];
	s2 =	stileid.u32  }
0x11b: {  	s1 =	rddreg [dreg:$0x1];
	p0 =	sne.s32 s2, $0x0  }
0x11c: {  	s3 =	rddreg [dreg:$0x2];
	[bflag:$0x3] =	sbarrier.arrive $0xFFFF;
	s2 =	simm.s32 @!p0 $0x1C01  }
0x11d: {  	[timem:s3], [sflag:s2] =	dma.local @!p0 [hbm:s0], s1  }
0x11e: {  	s0 =	simm.s32 @!p0 $0x1  }
0x11f: {  	_ =	swait.ge @!p0 [sflag:s0], s1  }
0x120: {  	s1 =	ssub.s32 @!p0 $0x0, s1;
	[sflag:s0] =	ssyncset.done @!p0 $0x0  }
0x121: {  	[sflag:s0] =	ssyncadd.s32 @!p0 s1  }
0x122: {  	[bflag:$0x3] =	sbarrier.arrive $0xFFFF  }
0x123: {  	_ =	shalt  }

</sc_bundles>
